<compile_context>
chip_gen: v7x
topology: tpu7x:2x2x1
jax: 0.10.2.dev20260603
libtpu: 0.0.44.dev20260713+nightly
codegen_flags: <defaults>
</compile_context>

<pallas_src>
import functools

import jax
import jax.numpy as jnp
from jax import lax
from jax.experimental import pallas as pl
from jax.experimental.pallas import tpu as pltpu
from jax.experimental.pallas import tpu_sc as plsc

_NBUF = 4


def _make_gather(B, D, C):
    info = plsc.get_sparse_core_info()
    NC, NS = info.num_cores, info.num_subcores
    NW = NC * NS
    b_per_w = B // NW
    n_chunks = b_per_w // C
    n_groups = n_chunks // _NBUF
    mesh = plsc.VectorSubcoreMesh(core_axis_name="c", subcore_axis_name="s")

    @functools.partial(
        pl.kernel,
        mesh=mesh,
        out_type=jax.ShapeDtypeStruct((B, D), jnp.float32),
        scratch_types=[
            [pltpu.VMEM((C,), jnp.int32) for _ in range(_NBUF)],
            [pltpu.VMEM((C, D), jnp.float32) for _ in range(_NBUF)],
            [pltpu.SemaphoreType.DMA for _ in range(_NBUF)],
            [pltpu.SemaphoreType.DMA for _ in range(_NBUF)],
            [pltpu.SemaphoreType.DMA for _ in range(_NBUF)],
        ],
        compiler_params=pltpu.CompilerParams(use_tc_tiling_on_sc=False),
    )
    def k(idx_hbm, table_hbm, out_hbm, idx_b, rows, sem_i, sem_g, sem_w):
        wid = lax.axis_index("s") * NC + lax.axis_index("c")
        base = wid * b_per_w

        def idx_load(chunk, b):
            pltpu.async_copy(
                idx_hbm.at[pl.ds(base + chunk * C, C)], idx_b[b], sem_i[b]
            )

        def gather(b):
            pltpu.async_copy(table_hbm.at[idx_b[b]], rows[b], sem_g[b])

        def writeback(chunk, b):
            pltpu.async_copy(
                rows[b], out_hbm.at[pl.ds(base + chunk * C, C)], sem_w[b]
            )

        def wait_i(b):
            pltpu.make_async_copy(
                idx_hbm.at[pl.ds(base, C)], idx_b[b], sem_i[b]
            ).wait()

        def wait_g(b):
            pltpu.make_async_copy(
                table_hbm.at[idx_b[b]], rows[b], sem_g[b]
            ).wait()

        def wait_w(b):
            pltpu.make_async_copy(
                rows[b], out_hbm.at[pl.ds(base, C)], sem_w[b]
            ).wait()

        for b in range(_NBUF):
            idx_load(b, b)
        for b in range(_NBUF):
            wait_i(b)
            gather(b)

        def body(grp, carry):
            c0 = grp * _NBUF
            for b in range(_NBUF):
                wait_g(b)
                writeback(c0 + b, b)
                idx_load(c0 + _NBUF + b, b)
            for b in range(_NBUF):
                wait_w(b)
                wait_i(b)
                gather(b)
            return carry

        lax.fori_loop(0, n_groups - 1, body, 0)

        c0 = (n_groups - 1) * _NBUF
        for b in range(_NBUF):
            wait_g(b)
            writeback(c0 + b, b)
        for b in range(_NBUF):
            wait_w(b)

    return k


def kernel(pre_embedding, table):
    S, T = pre_embedding.shape
    V, D = table.shape
    B = S * T
    idx = pre_embedding.reshape(B).astype(jnp.int32)
    out = _make_gather(B, D, 256)(idx, table)
    return out.reshape(S, T, D)

# --- scband reference (transcript-rebuilt; emitter-appended) ---
"""Pipeline reference for scband-embeddings-32487132627013 (READ-ONLY COPY).

The authoritative reference and input builder live on the scoring server;
editing this copy changes nothing except your own understanding.
"""

import jax, jax.numpy as jnp
import numpy as np

VOCAB = 1000000
DIM = 64

def setup_inputs(seed: int = 0) -> dict:
    key = jax.random.key(seed)
    k1, k2 = jax.random.split(key)
    pre_embedding = jax.random.randint(k1, (16384, 50), 0, VOCAB, dtype=jnp.int64 if jax.config.jax_enable_x64 else jnp.int32)
    table = jax.random.normal(k2, (VOCAB, DIM), dtype=jnp.float32)
    return {"pre_embedding": pre_embedding, "table": table}

def reference(pre_embedding, table):
    # nn.Embedding forward: gather rows of the table by index
    post_embedding = jnp.take(table, pre_embedding, axis=0)
    return post_embedding

if __name__ == "__main__":
    import jax
    _d = setup_inputs()
    print(jax.jit(kernel)(*tuple(_d.values())))

</pallas_src>

<mosaic_0001>
#map = affine_map<(d0, d1) -> (0)>
#map1 = affine_map<(d0, d1) -> (0, 0)>
module attributes {stable_mosaic.version = 14 : i64} {
  func.func @k(%arg0: i32, %arg1: i32, %arg2: memref<819200xi32, #tpu.memory_space<hbm>>, %arg3: memref<1000000x64xf32, #tpu.memory_space<hbm>>, %arg4: memref<819200x64xf32, #tpu.memory_space<hbm>>, %arg5: memref<256xi32, #tpu.memory_space<vmem>>, %arg6: memref<256xi32, #tpu.memory_space<vmem>>, %arg7: memref<256xi32, #tpu.memory_space<vmem>>, %arg8: memref<256xi32, #tpu.memory_space<vmem>>, %arg9: memref<256x64xf32, #tpu.memory_space<vmem>>, %arg10: memref<256x64xf32, #tpu.memory_space<vmem>>, %arg11: memref<256x64xf32, #tpu.memory_space<vmem>>, %arg12: memref<256x64xf32, #tpu.memory_space<vmem>>, %arg13: memref<!tpu.dma_semaphore, #tpu.memory_space<semaphore_mem>>, %arg14: memref<!tpu.dma_semaphore, #tpu.memory_space<semaphore_mem>>, %arg15: memref<!tpu.dma_semaphore, #tpu.memory_space<semaphore_mem>>, %arg16: memref<!tpu.dma_semaphore, #tpu.memory_space<semaphore_mem>>, %arg17: memref<!tpu.dma_semaphore, #tpu.memory_space<semaphore_mem>>, %arg18: memref<!tpu.dma_semaphore, #tpu.memory_space<semaphore_mem>>, %arg19: memref<!tpu.dma_semaphore, #tpu.memory_space<semaphore_mem>>, %arg20: memref<!tpu.dma_semaphore, #tpu.memory_space<semaphore_mem>>, %arg21: memref<!tpu.dma_semaphore, #tpu.memory_space<semaphore_mem>>, %arg22: memref<!tpu.dma_semaphore, #tpu.memory_space<semaphore_mem>>, %arg23: memref<!tpu.dma_semaphore, #tpu.memory_space<semaphore_mem>>, %arg24: memref<!tpu.dma_semaphore, #tpu.memory_space<semaphore_mem>>) attributes {dimension_semantics = [#tpu.dimension_semantics<core_parallel>, #tpu.dimension_semantics<subcore_parallel>], iteration_bounds = array<i64: 2, 16>, scalar_prefetch = 0 : i64, scratch_operands = 20 : i64, tpu.core_type = #tpu.core_type<sc_vector_subcore>, window_params = [{transform_indices = #map}, {transform_indices = #map1}, {transform_indices = #map1}]} {
    %mul3A = arith.constant 2 : i32
    %mul3A_0 = arith.muli %arg1, %mul3A : i32
    %add3A = arith.addi %mul3A_0, %arg0 : i32
    %mul3A_1 = arith.constant 25600 : i32
    %mul3A_2 = arith.muli %add3A, %mul3A_1 : i32
    %add3A_3 = arith.constant 0 : i32
    %add3A_4 = arith.addi %mul3A_2, %add3A_3 : i32
    %dma_start3A = tpu.memref_slice %arg2[%add3A_4] : memref<819200xi32, #tpu.memory_space<hbm>> -> memref<256xi32, #tpu.memory_space<hbm>>
    %dma_start3A_5 = tpu.memref_slice %arg2[%add3A_4] : memref<819200xi32, #tpu.memory_space<hbm>> -> memref<256xi32, #tpu.memory_space<hbm>>
    tpu.enqueue_dma source(%dma_start3A_5 : memref<256xi32, #tpu.memory_space<hbm>>) target(%arg5 : memref<256xi32, #tpu.memory_space<vmem>>) target_semaphore(%arg13 : memref<!tpu.dma_semaphore, #tpu.memory_space<semaphore_mem>>)
    %add3A_6 = arith.constant 256 : i32
    %add3A_7 = arith.addi %mul3A_2, %add3A_6 : i32
    %dma_start3A_8 = tpu.memref_slice %arg2[%add3A_7] : memref<819200xi32, #tpu.memory_space<hbm>> -> memref<256xi32, #tpu.memory_space<hbm>>
    %dma_start3A_9 = tpu.memref_slice %arg2[%add3A_7] : memref<819200xi32, #tpu.memory_space<hbm>> -> memref<256xi32, #tpu.memory_space<hbm>>
    tpu.enqueue_dma source(%dma_start3A_9 : memref<256xi32, #tpu.memory_space<hbm>>) target(%arg6 : memref<256xi32, #tpu.memory_space<vmem>>) target_semaphore(%arg14 : memref<!tpu.dma_semaphore, #tpu.memory_space<semaphore_mem>>)
    %add3A_10 = arith.constant 512 : i32
    %add3A_11 = arith.addi %mul3A_2, %add3A_10 : i32
    %dma_start3A_12 = tpu.memref_slice %arg2[%add3A_11] : memref<819200xi32, #tpu.memory_space<hbm>> -> memref<256xi32, #tpu.memory_space<hbm>>
    %dma_start3A_13 = tpu.memref_slice %arg2[%add3A_11] : memref<819200xi32, #tpu.memory_space<hbm>> -> memref<256xi32, #tpu.memory_space<hbm>>
    tpu.enqueue_dma source(%dma_start3A_13 : memref<256xi32, #tpu.memory_space<hbm>>) target(%arg7 : memref<256xi32, #tpu.memory_space<vmem>>) target_semaphore(%arg15 : memref<!tpu.dma_semaphore, #tpu.memory_space<semaphore_mem>>)
    %add3A_14 = arith.constant 768 : i32
    %add3A_15 = arith.addi %mul3A_2, %add3A_14 : i32
    %dma_start3A_16 = tpu.memref_slice %arg2[%add3A_15] : memref<819200xi32, #tpu.memory_space<hbm>> -> memref<256xi32, #tpu.memory_space<hbm>>
    %dma_start3A_17 = tpu.memref_slice %arg2[%add3A_15] : memref<819200xi32, #tpu.memory_space<hbm>> -> memref<256xi32, #tpu.memory_space<hbm>>
    tpu.enqueue_dma source(%dma_start3A_17 : memref<256xi32, #tpu.memory_space<hbm>>) target(%arg8 : memref<256xi32, #tpu.memory_space<vmem>>) target_semaphore(%arg16 : memref<!tpu.dma_semaphore, #tpu.memory_space<semaphore_mem>>)
    %dma_wait3A = tpu.memref_slice %arg2[%mul3A_2] : memref<819200xi32, #tpu.memory_space<hbm>> -> memref<256xi32, #tpu.memory_space<hbm>>
    %dma_wait3A_18 = tpu.memref_slice %arg2[%mul3A_2] : memref<819200xi32, #tpu.memory_space<hbm>> -> memref<256xi32, #tpu.memory_space<hbm>>
    tpu.wait_dma2 semaphore(%arg13 : memref<!tpu.dma_semaphore, #tpu.memory_space<semaphore_mem>>) src(%dma_wait3A_18 : memref<256xi32, #tpu.memory_space<hbm>>) dst(%arg5 : memref<256xi32, #tpu.memory_space<vmem>>)
    %dma_start3A_19 = arith.constant 0 : i32
    %dma_start3A_20 = arith.constant 0 : i32
    %dma_start3A_21 = tpu.memref_slice %arg3[%dma_start3A_19, %dma_start3A_20] : memref<1000000x64xf32, #tpu.memory_space<hbm>> -> memref<1000000x64xf32, #tpu.memory_space<hbm>>
    tpu.enqueue_indirect_dma source(%dma_start3A_21 : memref<1000000x64xf32, #tpu.memory_space<hbm>>) target(%arg9 : memref<256x64xf32, #tpu.memory_space<vmem>>) offsets(%arg5 : memref<256xi32, #tpu.memory_space<vmem>>) semaphore(%arg17 : memref<!tpu.dma_semaphore, #tpu.memory_space<semaphore_mem>>)
    %dma_wait3A_22 = tpu.memref_slice %arg2[%mul3A_2] : memref<819200xi32, #tpu.memory_space<hbm>> -> memref<256xi32, #tpu.memory_space<hbm>>
    %dma_wait3A_23 = tpu.memref_slice %arg2[%mul3A_2] : memref<819200xi32, #tpu.memory_space<hbm>> -> memref<256xi32, #tpu.memory_space<hbm>>
    tpu.wait_dma2 semaphore(%arg14 : memref<!tpu.dma_semaphore, #tpu.memory_space<semaphore_mem>>) src(%dma_wait3A_23 : memref<256xi32, #tpu.memory_space<hbm>>) dst(%arg6 : memref<256xi32, #tpu.memory_space<vmem>>)
    %dma_start3A_24 = arith.constant 0 : i32
    %dma_start3A_25 = arith.constant 0 : i32
    %dma_start3A_26 = tpu.memref_slice %arg3[%dma_start3A_24, %dma_start3A_25] : memref<1000000x64xf32, #tpu.memory_space<hbm>> -> memref<1000000x64xf32, #tpu.memory_space<hbm>>
    tpu.enqueue_indirect_dma source(%dma_start3A_26 : memref<1000000x64xf32, #tpu.memory_space<hbm>>) target(%arg10 : memref<256x64xf32, #tpu.memory_space<vmem>>) offsets(%arg6 : memref<256xi32, #tpu.memory_space<vmem>>) semaphore(%arg18 : memref<!tpu.dma_semaphore, #tpu.memory_space<semaphore_mem>>)
    %dma_wait3A_27 = tpu.memref_slice %arg2[%mul3A_2] : memref<819200xi32, #tpu.memory_space<hbm>> -> memref<256xi32, #tpu.memory_space<hbm>>
    %dma_wait3A_28 = tpu.memref_slice %arg2[%mul3A_2] : memref<819200xi32, #tpu.memory_space<hbm>> -> memref<256xi32, #tpu.memory_space<hbm>>
    tpu.wait_dma2 semaphore(%arg15 : memref<!tpu.dma_semaphore, #tpu.memory_space<semaphore_mem>>) src(%dma_wait3A_28 : memref<256xi32, #tpu.memory_space<hbm>>) dst(%arg7 : memref<256xi32, #tpu.memory_space<vmem>>)
    %dma_start3A_29 = arith.constant 0 : i32
    %dma_start3A_30 = arith.constant 0 : i32
    %dma_start3A_31 = tpu.memref_slice %arg3[%dma_start3A_29, %dma_start3A_30] : memref<1000000x64xf32, #tpu.memory_space<hbm>> -> memref<1000000x64xf32, #tpu.memory_space<hbm>>
    tpu.enqueue_indirect_dma source(%dma_start3A_31 : memref<1000000x64xf32, #tpu.memory_space<hbm>>) target(%arg11 : memref<256x64xf32, #tpu.memory_space<vmem>>) offsets(%arg7 : memref<256xi32, #tpu.memory_space<vmem>>) semaphore(%arg19 : memref<!tpu.dma_semaphore, #tpu.memory_space<semaphore_mem>>)
    %dma_wait3A_32 = tpu.memref_slice %arg2[%mul3A_2] : memref<819200xi32, #tpu.memory_space<hbm>> -> memref<256xi32, #tpu.memory_space<hbm>>
    %dma_wait3A_33 = tpu.memref_slice %arg2[%mul3A_2] : memref<819200xi32, #tpu.memory_space<hbm>> -> memref<256xi32, #tpu.memory_space<hbm>>
    tpu.wait_dma2 semaphore(%arg16 : memref<!tpu.dma_semaphore, #tpu.memory_space<semaphore_mem>>) src(%dma_wait3A_33 : memref<256xi32, #tpu.memory_space<hbm>>) dst(%arg8 : memref<256xi32, #tpu.memory_space<vmem>>)
    %dma_start3A_34 = arith.constant 0 : i32
    %dma_start3A_35 = arith.constant 0 : i32
    %dma_start3A_36 = tpu.memref_slice %arg3[%dma_start3A_34, %dma_start3A_35] : memref<1000000x64xf32, #tpu.memory_space<hbm>> -> memref<1000000x64xf32, #tpu.memory_space<hbm>>
    tpu.enqueue_indirect_dma source(%dma_start3A_36 : memref<1000000x64xf32, #tpu.memory_space<hbm>>) target(%arg12 : memref<256x64xf32, #tpu.memory_space<vmem>>) offsets(%arg8 : memref<256xi32, #tpu.memory_space<vmem>>) semaphore(%arg20 : memref<!tpu.dma_semaphore, #tpu.memory_space<semaphore_mem>>)
    %scan3A = arith.constant 0 : i32
    %scan3A_37 = arith.constant 0 : i32
    %scan3A_38 = arith.constant 24 : i32
    %scan3A_39 = arith.addi %scan3A_37, %scan3A_38 : i32
    %scan3A_40 = arith.constant 1 : i32
    scf.for %scan3A_94 = %scan3A_37 to %scan3A_39 step %scan3A_40  : i32 {
      %mul3A_95 = arith.constant 4 : i32
      %mul3A_96 = arith.muli %scan3A_94, %mul3A_95 : i32
      %dma_wait3A_97 = arith.constant 0 : i32
      %dma_wait3A_98 = arith.constant 0 : i32
      %dma_wait3A_99 = tpu.memref_slice %arg3[%dma_wait3A_97, %dma_wait3A_98] : memref<1000000x64xf32, #tpu.memory_space<hbm>> -> memref<1000000x64xf32, #tpu.memory_space<hbm>>
      tpu.wait_indirect_dma semaphore(%arg17 : memref<!tpu.dma_semaphore, #tpu.memory_space<semaphore_mem>>) src(%dma_wait3A_99 : memref<1000000x64xf32, #tpu.memory_space<hbm>>) dst(%arg9 : memref<256x64xf32, #tpu.memory_space<vmem>>)
      %add3A_100 = arith.constant 0 : i32
      %add3A_101 = arith.addi %mul3A_96, %add3A_100 : i32
      %mul3A_102 = arith.constant 256 : i32
      %mul3A_103 = arith.muli %add3A_101, %mul3A_102 : i32
      %add3A_104 = arith.addi %mul3A_2, %mul3A_103 : i32
      %dma_start3A_105 = arith.constant 0 : i32
      %dma_start3A_106 = tpu.memref_slice %arg4[%add3A_104, %dma_start3A_105] : memref<819200x64xf32, #tpu.memory_space<hbm>> -> memref<256x64xf32, #tpu.memory_space<hbm>>
      %dma_start3A_107 = arith.constant 0 : i32
      %dma_start3A_108 = tpu.memref_slice %arg4[%add3A_104, %dma_start3A_107] : memref<819200x64xf32, #tpu.memory_space<hbm>> -> memref<256x64xf32, #tpu.memory_space<hbm>>
      tpu.enqueue_dma source(%arg9 : memref<256x64xf32, #tpu.memory_space<vmem>>) target(%dma_start3A_108 : memref<256x64xf32, #tpu.memory_space<hbm>>) target_semaphore(%arg21 : memref<!tpu.dma_semaphore, #tpu.memory_space<semaphore_mem>>)
      %add3A_109 = arith.constant 4 : i32
      %add3A_110 = arith.addi %mul3A_96, %add3A_109 : i32
      %add3A_111 = arith.constant 0 : i32
      %add3A_112 = arith.addi %add3A_110, %add3A_111 : i32
      %mul3A_113 = arith.constant 256 : i32
      %mul3A_114 = arith.muli %add3A_112, %mul3A_113 : i32
      %add3A_115 = arith.addi %mul3A_2, %mul3A_114 : i32
      %dma_start3A_116 = tpu.memref_slice %arg2[%add3A_115] : memref<819200xi32, #tpu.memory_space<hbm>> -> memref<256xi32, #tpu.memory_space<hbm>>
      %dma_start3A_117 = tpu.memref_slice %arg2[%add3A_115] : memref<819200xi32, #tpu.memory_space<hbm>> -> memref<256xi32, #tpu.memory_space<hbm>>
      tpu.enqueue_dma source(%dma_start3A_117 : memref<256xi32, #tpu.memory_space<hbm>>) target(%arg5 : memref<256xi32, #tpu.memory_space<vmem>>) target_semaphore(%arg13 : memref<!tpu.dma_semaphore, #tpu.memory_space<semaphore_mem>>)
      %dma_wait3A_118 = arith.constant 0 : i32
      %dma_wait3A_119 = arith.constant 0 : i32
      %dma_wait3A_120 = tpu.memref_slice %arg3[%dma_wait3A_118, %dma_wait3A_119] : memref<1000000x64xf32, #tpu.memory_space<hbm>> -> memref<1000000x64xf32, #tpu.memory_space<hbm>>
      tpu.wait_indirect_dma semaphore(%arg18 : memref<!tpu.dma_semaphore, #tpu.memory_space<semaphore_mem>>) src(%dma_wait3A_120 : memref<1000000x64xf32, #tpu.memory_space<hbm>>) dst(%arg10 : memref<256x64xf32, #tpu.memory_space<vmem>>)
      %add3A_121 = arith.constant 1 : i32
      %add3A_122 = arith.addi %mul3A_96, %add3A_121 : i32
      %mul3A_123 = arith.constant 256 : i32
      %mul3A_124 = arith.muli %add3A_122, %mul3A_123 : i32
      %add3A_125 = arith.addi %mul3A_2, %mul3A_124 : i32
      %dma_start3A_126 = arith.constant 0 : i32
      %dma_start3A_127 = tpu.memref_slice %arg4[%add3A_125, %dma_start3A_126] : memref<819200x64xf32, #tpu.memory_space<hbm>> -> memref<256x64xf32, #tpu.memory_space<hbm>>
      %dma_start3A_128 = arith.constant 0 : i32
      %dma_start3A_129 = tpu.memref_slice %arg4[%add3A_125, %dma_start3A_128] : memref<819200x64xf32, #tpu.memory_space<hbm>> -> memref<256x64xf32, #tpu.memory_space<hbm>>
      tpu.enqueue_dma source(%arg10 : memref<256x64xf32, #tpu.memory_space<vmem>>) target(%dma_start3A_129 : memref<256x64xf32, #tpu.memory_space<hbm>>) target_semaphore(%arg22 : memref<!tpu.dma_semaphore, #tpu.memory_space<semaphore_mem>>)
      %add3A_130 = arith.constant 4 : i32
      %add3A_131 = arith.addi %mul3A_96, %add3A_130 : i32
      %add3A_132 = arith.constant 1 : i32
      %add3A_133 = arith.addi %add3A_131, %add3A_132 : i32
      %mul3A_134 = arith.constant 256 : i32
      %mul3A_135 = arith.muli %add3A_133, %mul3A_134 : i32
      %add3A_136 = arith.addi %mul3A_2, %mul3A_135 : i32
      %dma_start3A_137 = tpu.memref_slice %arg2[%add3A_136] : memref<819200xi32, #tpu.memory_space<hbm>> -> memref<256xi32, #tpu.memory_space<hbm>>
      %dma_start3A_138 = tpu.memref_slice %arg2[%add3A_136] : memref<819200xi32, #tpu.memory_space<hbm>> -> memref<256xi32, #tpu.memory_space<hbm>>
      tpu.enqueue_dma source(%dma_start3A_138 : memref<256xi32, #tpu.memory_space<hbm>>) target(%arg6 : memref<256xi32, #tpu.memory_space<vmem>>) target_semaphore(%arg14 : memref<!tpu.dma_semaphore, #tpu.memory_space<semaphore_mem>>)
      %dma_wait3A_139 = arith.constant 0 : i32
      %dma_wait3A_140 = arith.constant 0 : i32
      %dma_wait3A_141 = tpu.memref_slice %arg3[%dma_wait3A_139, %dma_wait3A_140] : memref<1000000x64xf32, #tpu.memory_space<hbm>> -> memref<1000000x64xf32, #tpu.memory_space<hbm>>
      tpu.wait_indirect_dma semaphore(%arg19 : memref<!tpu.dma_semaphore, #tpu.memory_space<semaphore_mem>>) src(%dma_wait3A_141 : memref<1000000x64xf32, #tpu.memory_space<hbm>>) dst(%arg11 : memref<256x64xf32, #tpu.memory_space<vmem>>)
      %add3A_142 = arith.constant 2 : i32
      %add3A_143 = arith.addi %mul3A_96, %add3A_142 : i32
      %mul3A_144 = arith.constant 256 : i32
      %mul3A_145 = arith.muli %add3A_143, %mul3A_144 : i32
      %add3A_146 = arith.addi %mul3A_2, %mul3A_145 : i32
      %dma_start3A_147 = arith.constant 0 : i32
      %dma_start3A_148 = tpu.memref_slice %arg4[%add3A_146, %dma_start3A_147] : memref<819200x64xf32, #tpu.memory_space<hbm>> -> memref<256x64xf32, #tpu.memory_space<hbm>>
      %dma_start3A_149 = arith.constant 0 : i32
      %dma_start3A_150 = tpu.memref_slice %arg4[%add3A_146, %dma_start3A_149] : memref<819200x64xf32, #tpu.memory_space<hbm>> -> memref<256x64xf32, #tpu.memory_space<hbm>>
      tpu.enqueue_dma source(%arg11 : memref<256x64xf32, #tpu.memory_space<vmem>>) target(%dma_start3A_150 : memref<256x64xf32, #tpu.memory_space<hbm>>) target_semaphore(%arg23 : memref<!tpu.dma_semaphore, #tpu.memory_space<semaphore_mem>>)
      %add3A_151 = arith.constant 4 : i32
      %add3A_152 = arith.addi %mul3A_96, %add3A_151 : i32
      %add3A_153 = arith.constant 2 : i32
      %add3A_154 = arith.addi %add3A_152, %add3A_153 : i32
      %mul3A_155 = arith.constant 256 : i32
      %mul3A_156 = arith.muli %add3A_154, %mul3A_155 : i32
      %add3A_157 = arith.addi %mul3A_2, %mul3A_156 : i32
      %dma_start3A_158 = tpu.memref_slice %arg2[%add3A_157] : memref<819200xi32, #tpu.memory_space<hbm>> -> memref<256xi32, #tpu.memory_space<hbm>>
      %dma_start3A_159 = tpu.memref_slice %arg2[%add3A_157] : memref<819200xi32, #tpu.memory_space<hbm>> -> memref<256xi32, #tpu.memory_space<hbm>>
      tpu.enqueue_dma source(%dma_start3A_159 : memref<256xi32, #tpu.memory_space<hbm>>) target(%arg7 : memref<256xi32, #tpu.memory_space<vmem>>) target_semaphore(%arg15 : memref<!tpu.dma_semaphore, #tpu.memory_space<semaphore_mem>>)
      %dma_wait3A_160 = arith.constant 0 : i32
      %dma_wait3A_161 = arith.constant 0 : i32
      %dma_wait3A_162 = tpu.memref_slice %arg3[%dma_wait3A_160, %dma_wait3A_161] : memref<1000000x64xf32, #tpu.memory_space<hbm>> -> memref<1000000x64xf32, #tpu.memory_space<hbm>>
      tpu.wait_indirect_dma semaphore(%arg20 : memref<!tpu.dma_semaphore, #tpu.memory_space<semaphore_mem>>) src(%dma_wait3A_162 : memref<1000000x64xf32, #tpu.memory_space<hbm>>) dst(%arg12 : memref<256x64xf32, #tpu.memory_space<vmem>>)
      %add3A_163 = arith.constant 3 : i32
      %add3A_164 = arith.addi %mul3A_96, %add3A_163 : i32
      %mul3A_165 = arith.constant 256 : i32
      %mul3A_166 = arith.muli %add3A_164, %mul3A_165 : i32
      %add3A_167 = arith.addi %mul3A_2, %mul3A_166 : i32
      %dma_start3A_168 = arith.constant 0 : i32
      %dma_start3A_169 = tpu.memref_slice %arg4[%add3A_167, %dma_start3A_168] : memref<819200x64xf32, #tpu.memory_space<hbm>> -> memref<256x64xf32, #tpu.memory_space<hbm>>
      %dma_start3A_170 = arith.constant 0 : i32
      %dma_start3A_171 = tpu.memref_slice %arg4[%add3A_167, %dma_start3A_170] : memref<819200x64xf32, #tpu.memory_space<hbm>> -> memref<256x64xf32, #tpu.memory_space<hbm>>
      tpu.enqueue_dma source(%arg12 : memref<256x64xf32, #tpu.memory_space<vmem>>) target(%dma_start3A_171 : memref<256x64xf32, #tpu.memory_space<hbm>>) target_semaphore(%arg24 : memref<!tpu.dma_semaphore, #tpu.memory_space<semaphore_mem>>)
      %add3A_172 = arith.constant 4 : i32
      %add3A_173 = arith.addi %mul3A_96, %add3A_172 : i32
      %add3A_174 = arith.constant 3 : i32
      %add3A_175 = arith.addi %add3A_173, %add3A_174 : i32
      %mul3A_176 = arith.constant 256 : i32
      %mul3A_177 = arith.muli %add3A_175, %mul3A_176 : i32
      %add3A_178 = arith.addi %mul3A_2, %mul3A_177 : i32
      %dma_start3A_179 = tpu.memref_slice %arg2[%add3A_178] : memref<819200xi32, #tpu.memory_space<hbm>> -> memref<256xi32, #tpu.memory_space<hbm>>
      %dma_start3A_180 = tpu.memref_slice %arg2[%add3A_178] : memref<819200xi32, #tpu.memory_space<hbm>> -> memref<256xi32, #tpu.memory_space<hbm>>
      tpu.enqueue_dma source(%dma_start3A_180 : memref<256xi32, #tpu.memory_space<hbm>>) target(%arg8 : memref<256xi32, #tpu.memory_space<vmem>>) target_semaphore(%arg16 : memref<!tpu.dma_semaphore, #tpu.memory_space<semaphore_mem>>)
      %dma_wait3A_181 = arith.constant 0 : i32
      %dma_wait3A_182 = tpu.memref_slice %arg4[%mul3A_2, %dma_wait3A_181] : memref<819200x64xf32, #tpu.memory_space<hbm>> -> memref<256x64xf32, #tpu.memory_space<hbm>>
      %dma_wait3A_183 = arith.constant 0 : i32
      %dma_wait3A_184 = tpu.memref_slice %arg4[%mul3A_2, %dma_wait3A_183] : memref<819200x64xf32, #tpu.memory_space<hbm>> -> memref<256x64xf32, #tpu.memory_space<hbm>>
      tpu.wait_dma2 semaphore(%arg21 : memref<!tpu.dma_semaphore, #tpu.memory_space<semaphore_mem>>) src(%arg9 : memref<256x64xf32, #tpu.memory_space<vmem>>) dst(%dma_wait3A_184 : memref<256x64xf32, #tpu.memory_space<hbm>>)
      %dma_wait3A_185 = tpu.memref_slice %arg2[%mul3A_2] : memref<819200xi32, #tpu.memory_space<hbm>> -> memref<256xi32, #tpu.memory_space<hbm>>
      %dma_wait3A_186 = tpu.memref_slice %arg2[%mul3A_2] : memref<819200xi32, #tpu.memory_space<hbm>> -> memref<256xi32, #tpu.memory_space<hbm>>
      tpu.wait_dma2 semaphore(%arg13 : memref<!tpu.dma_semaphore, #tpu.memory_space<semaphore_mem>>) src(%dma_wait3A_186 : memref<256xi32, #tpu.memory_space<hbm>>) dst(%arg5 : memref<256xi32, #tpu.memory_space<vmem>>)
      %dma_start3A_187 = arith.constant 0 : i32
      %dma_start3A_188 = arith.constant 0 : i32
      %dma_start3A_189 = tpu.memref_slice %arg3[%dma_start3A_187, %dma_start3A_188] : memref<1000000x64xf32, #tpu.memory_space<hbm>> -> memref<1000000x64xf32, #tpu.memory_space<hbm>>
      tpu.enqueue_indirect_dma source(%dma_start3A_189 : memref<1000000x64xf32, #tpu.memory_space<hbm>>) target(%arg9 : memref<256x64xf32, #tpu.memory_space<vmem>>) offsets(%arg5 : memref<256xi32, #tpu.memory_space<vmem>>) semaphore(%arg17 : memref<!tpu.dma_semaphore, #tpu.memory_space<semaphore_mem>>)
      %dma_wait3A_190 = arith.constant 0 : i32
      %dma_wait3A_191 = tpu.memref_slice %arg4[%mul3A_2, %dma_wait3A_190] : memref<819200x64xf32, #tpu.memory_space<hbm>> -> memref<256x64xf32, #tpu.memory_space<hbm>>
      %dma_wait3A_192 = arith.constant 0 : i32
      %dma_wait3A_193 = tpu.memref_slice %arg4[%mul3A_2, %dma_wait3A_192] : memref<819200x64xf32, #tpu.memory_space<hbm>> -> memref<256x64xf32, #tpu.memory_space<hbm>>
      tpu.wait_dma2 semaphore(%arg22 : memref<!tpu.dma_semaphore, #tpu.memory_space<semaphore_mem>>) src(%arg10 : memref<256x64xf32, #tpu.memory_space<vmem>>) dst(%dma_wait3A_193 : memref<256x64xf32, #tpu.memory_space<hbm>>)
      %dma_wait3A_194 = tpu.memref_slice %arg2[%mul3A_2] : memref<819200xi32, #tpu.memory_space<hbm>> -> memref<256xi32, #tpu.memory_space<hbm>>
      %dma_wait3A_195 = tpu.memref_slice %arg2[%mul3A_2] : memref<819200xi32, #tpu.memory_space<hbm>> -> memref<256xi32, #tpu.memory_space<hbm>>
      tpu.wait_dma2 semaphore(%arg14 : memref<!tpu.dma_semaphore, #tpu.memory_space<semaphore_mem>>) src(%dma_wait3A_195 : memref<256xi32, #tpu.memory_space<hbm>>) dst(%arg6 : memref<256xi32, #tpu.memory_space<vmem>>)
      %dma_start3A_196 = arith.constant 0 : i32
      %dma_start3A_197 = arith.constant 0 : i32
      %dma_start3A_198 = tpu.memref_slice %arg3[%dma_start3A_196, %dma_start3A_197] : memref<1000000x64xf32, #tpu.memory_space<hbm>> -> memref<1000000x64xf32, #tpu.memory_space<hbm>>
      tpu.enqueue_indirect_dma source(%dma_start3A_198 : memref<1000000x64xf32, #tpu.memory_space<hbm>>) target(%arg10 : memref<256x64xf32, #tpu.memory_space<vmem>>) offsets(%arg6 : memref<256xi32, #tpu.memory_space<vmem>>) semaphore(%arg18 : memref<!tpu.dma_semaphore, #tpu.memory_space<semaphore_mem>>)
      %dma_wait3A_199 = arith.constant 0 : i32
      %dma_wait3A_200 = tpu.memref_slice %arg4[%mul3A_2, %dma_wait3A_199] : memref<819200x64xf32, #tpu.memory_space<hbm>> -> memref<256x64xf32, #tpu.memory_space<hbm>>
      %dma_wait3A_201 = arith.constant 0 : i32
      %dma_wait3A_202 = tpu.memref_slice %arg4[%mul3A_2, %dma_wait3A_201] : memref<819200x64xf32, #tpu.memory_space<hbm>> -> memref<256x64xf32, #tpu.memory_space<hbm>>
      tpu.wait_dma2 semaphore(%arg23 : memref<!tpu.dma_semaphore, #tpu.memory_space<semaphore_mem>>) src(%arg11 : memref<256x64xf32, #tpu.memory_space<vmem>>) dst(%dma_wait3A_202 : memref<256x64xf32, #tpu.memory_space<hbm>>)
      %dma_wait3A_203 = tpu.memref_slice %arg2[%mul3A_2] : memref<819200xi32, #tpu.memory_space<hbm>> -> memref<256xi32, #tpu.memory_space<hbm>>
      %dma_wait3A_204 = tpu.memref_slice %arg2[%mul3A_2] : memref<819200xi32, #tpu.memory_space<hbm>> -> memref<256xi32, #tpu.memory_space<hbm>>
      tpu.wait_dma2 semaphore(%arg15 : memref<!tpu.dma_semaphore, #tpu.memory_space<semaphore_mem>>) src(%dma_wait3A_204 : memref<256xi32, #tpu.memory_space<hbm>>) dst(%arg7 : memref<256xi32, #tpu.memory_space<vmem>>)
      %dma_start3A_205 = arith.constant 0 : i32
      %dma_start3A_206 = arith.constant 0 : i32
      %dma_start3A_207 = tpu.memref_slice %arg3[%dma_start3A_205, %dma_start3A_206] : memref<1000000x64xf32, #tpu.memory_space<hbm>> -> memref<1000000x64xf32, #tpu.memory_space<hbm>>
      tpu.enqueue_indirect_dma source(%dma_start3A_207 : memref<1000000x64xf32, #tpu.memory_space<hbm>>) target(%arg11 : memref<256x64xf32, #tpu.memory_space<vmem>>) offsets(%arg7 : memref<256xi32, #tpu.memory_space<vmem>>) semaphore(%arg19 : memref<!tpu.dma_semaphore, #tpu.memory_space<semaphore_mem>>)
      %dma_wait3A_208 = arith.constant 0 : i32
      %dma_wait3A_209 = tpu.memref_slice %arg4[%mul3A_2, %dma_wait3A_208] : memref<819200x64xf32, #tpu.memory_space<hbm>> -> memref<256x64xf32, #tpu.memory_space<hbm>>
      %dma_wait3A_210 = arith.constant 0 : i32
      %dma_wait3A_211 = tpu.memref_slice %arg4[%mul3A_2, %dma_wait3A_210] : memref<819200x64xf32, #tpu.memory_space<hbm>> -> memref<256x64xf32, #tpu.memory_space<hbm>>
      tpu.wait_dma2 semaphore(%arg24 : memref<!tpu.dma_semaphore, #tpu.memory_space<semaphore_mem>>) src(%arg12 : memref<256x64xf32, #tpu.memory_space<vmem>>) dst(%dma_wait3A_211 : memref<256x64xf32, #tpu.memory_space<hbm>>)
      %dma_wait3A_212 = tpu.memref_slice %arg2[%mul3A_2] : memref<819200xi32, #tpu.memory_space<hbm>> -> memref<256xi32, #tpu.memory_space<hbm>>
      %dma_wait3A_213 = tpu.memref_slice %arg2[%mul3A_2] : memref<819200xi32, #tpu.memory_space<hbm>> -> memref<256xi32, #tpu.memory_space<hbm>>
      tpu.wait_dma2 semaphore(%arg16 : memref<!tpu.dma_semaphore, #tpu.memory_space<semaphore_mem>>) src(%dma_wait3A_213 : memref<256xi32, #tpu.memory_space<hbm>>) dst(%arg8 : memref<256xi32, #tpu.memory_space<vmem>>)
      %dma_start3A_214 = arith.constant 0 : i32
      %dma_start3A_215 = arith.constant 0 : i32
      %dma_start3A_216 = tpu.memref_slice %arg3[%dma_start3A_214, %dma_start3A_215] : memref<1000000x64xf32, #tpu.memory_space<hbm>> -> memref<1000000x64xf32, #tpu.memory_space<hbm>>
      tpu.enqueue_indirect_dma source(%dma_start3A_216 : memref<1000000x64xf32, #tpu.memory_space<hbm>>) target(%arg12 : memref<256x64xf32, #tpu.memory_space<vmem>>) offsets(%arg8 : memref<256xi32, #tpu.memory_space<vmem>>) semaphore(%arg20 : memref<!tpu.dma_semaphore, #tpu.memory_space<semaphore_mem>>)
    }
    %scan3A_41 = arith.constant 24 : i32
    %dma_wait3A_42 = arith.constant 0 : i32
    %dma_wait3A_43 = arith.constant 0 : i32
    %dma_wait3A_44 = tpu.memref_slice %arg3[%dma_wait3A_42, %dma_wait3A_43] : memref<1000000x64xf32, #tpu.memory_space<hbm>> -> memref<1000000x64xf32, #tpu.memory_space<hbm>>
    tpu.wait_indirect_dma semaphore(%arg17 : memref<!tpu.dma_semaphore, #tpu.memory_space<semaphore_mem>>) src(%dma_wait3A_44 : memref<1000000x64xf32, #tpu.memory_space<hbm>>) dst(%arg9 : memref<256x64xf32, #tpu.memory_space<vmem>>)
    %add3A_45 = arith.constant 24576 : i32
    %add3A_46 = arith.addi %mul3A_2, %add3A_45 : i32
    %dma_start3A_47 = arith.constant 0 : i32
    %dma_start3A_48 = tpu.memref_slice %arg4[%add3A_46, %dma_start3A_47] : memref<819200x64xf32, #tpu.memory_space<hbm>> -> memref<256x64xf32, #tpu.memory_space<hbm>>
    %dma_start3A_49 = arith.constant 0 : i32
    %dma_start3A_50 = tpu.memref_slice %arg4[%add3A_46, %dma_start3A_49] : memref<819200x64xf32, #tpu.memory_space<hbm>> -> memref<256x64xf32, #tpu.memory_space<hbm>>
    tpu.enqueue_dma source(%arg9 : memref<256x64xf32, #tpu.memory_space<vmem>>) target(%dma_start3A_50 : memref<256x64xf32, #tpu.memory_space<hbm>>) target_semaphore(%arg21 : memref<!tpu.dma_semaphore, #tpu.memory_space<semaphore_mem>>)
    %dma_wait3A_51 = arith.constant 0 : i32
    %dma_wait3A_52 = arith.constant 0 : i32
    %dma_wait3A_53 = tpu.memref_slice %arg3[%dma_wait3A_51, %dma_wait3A_52] : memref<1000000x64xf32, #tpu.memory_space<hbm>> -> memref<1000000x64xf32, #tpu.memory_space<hbm>>
    tpu.wait_indirect_dma semaphore(%arg18 : memref<!tpu.dma_semaphore, #tpu.memory_space<semaphore_mem>>) src(%dma_wait3A_53 : memref<1000000x64xf32, #tpu.memory_space<hbm>>) dst(%arg10 : memref<256x64xf32, #tpu.memory_space<vmem>>)
    %add3A_54 = arith.constant 24832 : i32
    %add3A_55 = arith.addi %mul3A_2, %add3A_54 : i32
    %dma_start3A_56 = arith.constant 0 : i32
    %dma_start3A_57 = tpu.memref_slice %arg4[%add3A_55, %dma_start3A_56] : memref<819200x64xf32, #tpu.memory_space<hbm>> -> memref<256x64xf32, #tpu.memory_space<hbm>>
    %dma_start3A_58 = arith.constant 0 : i32
    %dma_start3A_59 = tpu.memref_slice %arg4[%add3A_55, %dma_start3A_58] : memref<819200x64xf32, #tpu.memory_space<hbm>> -> memref<256x64xf32, #tpu.memory_space<hbm>>
    tpu.enqueue_dma source(%arg10 : memref<256x64xf32, #tpu.memory_space<vmem>>) target(%dma_start3A_59 : memref<256x64xf32, #tpu.memory_space<hbm>>) target_semaphore(%arg22 : memref<!tpu.dma_semaphore, #tpu.memory_space<semaphore_mem>>)
    %dma_wait3A_60 = arith.constant 0 : i32
    %dma_wait3A_61 = arith.constant 0 : i32
    %dma_wait3A_62 = tpu.memref_slice %arg3[%dma_wait3A_60, %dma_wait3A_61] : memref<1000000x64xf32, #tpu.memory_space<hbm>> -> memref<1000000x64xf32, #tpu.memory_space<hbm>>
    tpu.wait_indirect_dma semaphore(%arg19 : memref<!tpu.dma_semaphore, #tpu.memory_space<semaphore_mem>>) src(%dma_wait3A_62 : memref<1000000x64xf32, #tpu.memory_space<hbm>>) dst(%arg11 : memref<256x64xf32, #tpu.memory_space<vmem>>)
    %add3A_63 = arith.constant 25088 : i32
    %add3A_64 = arith.addi %mul3A_2, %add3A_63 : i32
    %dma_start3A_65 = arith.constant 0 : i32
    %dma_start3A_66 = tpu.memref_slice %arg4[%add3A_64, %dma_start3A_65] : memref<819200x64xf32, #tpu.memory_space<hbm>> -> memref<256x64xf32, #tpu.memory_space<hbm>>
    %dma_start3A_67 = arith.constant 0 : i32
    %dma_start3A_68 = tpu.memref_slice %arg4[%add3A_64, %dma_start3A_67] : memref<819200x64xf32, #tpu.memory_space<hbm>> -> memref<256x64xf32, #tpu.memory_space<hbm>>
    tpu.enqueue_dma source(%arg11 : memref<256x64xf32, #tpu.memory_space<vmem>>) target(%dma_start3A_68 : memref<256x64xf32, #tpu.memory_space<hbm>>) target_semaphore(%arg23 : memref<!tpu.dma_semaphore, #tpu.memory_space<semaphore_mem>>)
    %dma_wait3A_69 = arith.constant 0 : i32
    %dma_wait3A_70 = arith.constant 0 : i32
    %dma_wait3A_71 = tpu.memref_slice %arg3[%dma_wait3A_69, %dma_wait3A_70] : memref<1000000x64xf32, #tpu.memory_space<hbm>> -> memref<1000000x64xf32, #tpu.memory_space<hbm>>
    tpu.wait_indirect_dma semaphore(%arg20 : memref<!tpu.dma_semaphore, #tpu.memory_space<semaphore_mem>>) src(%dma_wait3A_71 : memref<1000000x64xf32, #tpu.memory_space<hbm>>) dst(%arg12 : memref<256x64xf32, #tpu.memory_space<vmem>>)
    %add3A_72 = arith.constant 25344 : i32
    %add3A_73 = arith.addi %mul3A_2, %add3A_72 : i32
    %dma_start3A_74 = arith.constant 0 : i32
    %dma_start3A_75 = tpu.memref_slice %arg4[%add3A_73, %dma_start3A_74] : memref<819200x64xf32, #tpu.memory_space<hbm>> -> memref<256x64xf32, #tpu.memory_space<hbm>>
    %dma_start3A_76 = arith.constant 0 : i32
    %dma_start3A_77 = tpu.memref_slice %arg4[%add3A_73, %dma_start3A_76] : memref<819200x64xf32, #tpu.memory_space<hbm>> -> memref<256x64xf32, #tpu.memory_space<hbm>>
    tpu.enqueue_dma source(%arg12 : memref<256x64xf32, #tpu.memory_space<vmem>>) target(%dma_start3A_77 : memref<256x64xf32, #tpu.memory_space<hbm>>) target_semaphore(%arg24 : memref<!tpu.dma_semaphore, #tpu.memory_space<semaphore_mem>>)
    %dma_wait3A_78 = arith.constant 0 : i32
    %dma_wait3A_79 = tpu.memref_slice %arg4[%mul3A_2, %dma_wait3A_78] : memref<819200x64xf32, #tpu.memory_space<hbm>> -> memref<256x64xf32, #tpu.memory_space<hbm>>
    %dma_wait3A_80 = arith.constant 0 : i32
    %dma_wait3A_81 = tpu.memref_slice %arg4[%mul3A_2, %dma_wait3A_80] : memref<819200x64xf32, #tpu.memory_space<hbm>> -> memref<256x64xf32, #tpu.memory_space<hbm>>
    tpu.wait_dma2 semaphore(%arg21 : memref<!tpu.dma_semaphore, #tpu.memory_space<semaphore_mem>>) src(%arg9 : memref<256x64xf32, #tpu.memory_space<vmem>>) dst(%dma_wait3A_81 : memref<256x64xf32, #tpu.memory_space<hbm>>)
    %dma_wait3A_82 = arith.constant 0 : i32
    %dma_wait3A_83 = tpu.memref_slice %arg4[%mul3A_2, %dma_wait3A_82] : memref<819200x64xf32, #tpu.memory_space<hbm>> -> memref<256x64xf32, #tpu.memory_space<hbm>>
    %dma_wait3A_84 = arith.constant 0 : i32
    %dma_wait3A_85 = tpu.memref_slice %arg4[%mul3A_2, %dma_wait3A_84] : memref<819200x64xf32, #tpu.memory_space<hbm>> -> memref<256x64xf32, #tpu.memory_space<hbm>>
    tpu.wait_dma2 semaphore(%arg22 : memref<!tpu.dma_semaphore, #tpu.memory_space<semaphore_mem>>) src(%arg10 : memref<256x64xf32, #tpu.memory_space<vmem>>) dst(%dma_wait3A_85 : memref<256x64xf32, #tpu.memory_space<hbm>>)
    %dma_wait3A_86 = arith.constant 0 : i32
    %dma_wait3A_87 = tpu.memref_slice %arg4[%mul3A_2, %dma_wait3A_86] : memref<819200x64xf32, #tpu.memory_space<hbm>> -> memref<256x64xf32, #tpu.memory_space<hbm>>
    %dma_wait3A_88 = arith.constant 0 : i32
    %dma_wait3A_89 = tpu.memref_slice %arg4[%mul3A_2, %dma_wait3A_88] : memref<819200x64xf32, #tpu.memory_space<hbm>> -> memref<256x64xf32, #tpu.memory_space<hbm>>
    tpu.wait_dma2 semaphore(%arg23 : memref<!tpu.dma_semaphore, #tpu.memory_space<semaphore_mem>>) src(%arg11 : memref<256x64xf32, #tpu.memory_space<vmem>>) dst(%dma_wait3A_89 : memref<256x64xf32, #tpu.memory_space<hbm>>)
    %dma_wait3A_90 = arith.constant 0 : i32
    %dma_wait3A_91 = tpu.memref_slice %arg4[%mul3A_2, %dma_wait3A_90] : memref<819200x64xf32, #tpu.memory_space<hbm>> -> memref<256x64xf32, #tpu.memory_space<hbm>>
    %dma_wait3A_92 = arith.constant 0 : i32
    %dma_wait3A_93 = tpu.memref_slice %arg4[%mul3A_2, %dma_wait3A_92] : memref<819200x64xf32, #tpu.memory_space<hbm>> -> memref<256x64xf32, #tpu.memory_space<hbm>>
    tpu.wait_dma2 semaphore(%arg24 : memref<!tpu.dma_semaphore, #tpu.memory_space<semaphore_mem>>) src(%arg12 : memref<256x64xf32, #tpu.memory_space<vmem>>) dst(%dma_wait3A_93 : memref<256x64xf32, #tpu.memory_space<hbm>>)
    return
  }
}

</mosaic_0001>

<sc_bundles>
// kernel: kernel.3.cloned.1.call-start
scs
__scs_entry_jumppad:
0x0: {  	(pc) =	sbr.rel $0x88, $3  }
0x1: {  	(tag) =	ssettag $0x0;
	lr =	simm.s32 $0x1  }
0x2: {  	[smem:$0x3F9F] =	sst lr;
	_ =	strace $0xD0000000  }
0x3: {  	_ = 	snop  }
0x4: {  	_ = 	snop  }
0x5: {  	_ = 	snop  }
0x6: {  	_ = 	snop  }
0x7: {  	_ = 	snop  }
__scs_overlays_trampoline_lowered:
0x8: {  	[smem:$0x3FAE] =	sst s0  }
0x9: {  	[smem:$0x3FAF] =	sst s1  }
0xa: {  	[smem:$0x3FB0] =	sst s2  }
0xb: {  	[smem:$0x3FB1] =	sst s3  }
0xc: {  	[smem:$0x3FB2] =	sst s4  }
0xd: {  	[smem:$0x3FB3] =	sst s5  }
0xe: {  	[smem:$0x3FB4] =	sst s6  }
0xf: {  	[smem:$0x3FB5] =	sst s7  }
0x10: {  	[smem:$0x3FB6] =	sst s8  }
0x11: {  	[smem:$0x3FB7] =	sst s9;
	s0 =	simm.s32 @!p0 $0x0  }
0x12: {  	s1 =	sld [smem:$0x3F9D];
	s0 =	simm.s32 @p0 $0x1  }
0x13: {  	[smem:$0x3FB8] =	sst s0;
	s0 =	simm.s32 @!p1 $0x0  }
0x14: {  	s2 =	sld [smem:$0x3F9C];
	s0 =	simm.s32 @p1 $0x1  }
0x15: {  	[smem:$0x3FB9] =	sst s0;
	s0 =	simm.s32 @!p2 $0x0  }
0x16: {  	s3 =	sld [smem:$0x3FDB];
	s0 =	simm.s32 @p2 $0x1  }
0x17: {  	s4 =	simm.s32 $0x1BF5;
	[smem:$0x3FBB] =	sst s0  }
0x18: {  	s0 =	sld [smem:$0x3F9E];
	_ =	swait.ge [sflag:s4], $0x0  }
0x19: {  	s7 =	sld [smem:$0x3F9F]  }
0x1a: {  	s8 =	sadd.s32 $0xFFFFE003, lr  }
0x1b: {  	s9 =	sadd.s32 $0xFFFFFEF7, lr;
	s5 =	simm.s32 $0xFFFFFFFF;
	p2 =	slt.u32 s8, $0xFFFFF086  }
0x1c: {  	p1 =	slt.u32 s9, $0xF7A;
	s5 =	simm.s32 @!p2 $0x0  }
0x1d: {  	s5 =	simm.s32 @p1 $0x1;
	p0 =	seq.s32 s7, s2  }
0x1e: {  	s7 =	smul.u32 @!p0 $0xF7A, s2;
	p2 =	seq.s32 @!p0 s5, $0x0  }
0x1f: {  	s9 =	smul.u32 $0xF7A, s1;
	s8 =	simm.s32 @!p0 $0x1BF5;
	p2 =	por !p2, p0  }
0x20: {  	[sflag:s8] =	ssyncset.s32 @!p0 $0xFFFFF086;
	s6 =	sadd.s32 @!p0 s3, s7;
	s7 =	simm.s32 @!p0 $0x108  }
0x21: {  	s3 =	sadd.s32 s3, s9;
	s6 =	sadd.s32 @!p0 $0x88, s6;
	s7 =	simm.s32 @p2 $0x1082  }
0x22: {  	[simem:s7], [sflag:s8] =	dma.local @!p0 [hbm:s6], $0xF7A  }
0x23: {  	s9 =	sor.u32 $0xD0000000, s2;
	s6 =	simm.s32 $0x108;
	_ =	swait.ge @!p0 [sflag:s8], $0x0  }
0x24: {  	s3 =	sadd.s32 $0x88, s3;
	s6 =	simm.s32 @!p1 $0x1082;
	[sflag:s4] =	ssyncset.s32 $0xFFFFF086  }
0x25: {  	[simem:s6], [sflag:s4] =	dma.local [hbm:s3], $0xF7A  }
0x26: {  	[smem:$0x3F9F] =	sst s1;
	(tag) =	ssettag s2;
	_ =	strace s9  }
0x27: {  	s1 =	sld [smem:$0x3FAF]  }
0x28: {  	s2 =	sld [smem:$0x3FB0]  }
0x29: {  	s4 =	sld [smem:$0x3FB2]  }
0x2a: {  	p0 =	seq.s32 s5, $0x0;
	s5 =	sld [smem:$0x3FB3]  }
0x2b: {  	s6 =	sld [smem:$0x3FB4]  }
0x2c: {  	s7 =	sld [smem:$0x3FB5]  }
0x2d: {  	s3 =	simm.s32 $0x108;
	s8 =	sld [smem:$0x3FB6]  }
0x2e: {  	s3 =	simm.s32 @!p0 $0x1082;
	s9 =	sld [smem:$0x3FB7]  }
0x2f: {  	lr =	sadd.s32 s0, s3;
	s0 =	sld [smem:$0x3FAE]  }
0x30: {  	s3 =	sld [smem:$0x3FB1]  }
0x31: {  	[smem:$0x3FBA] =	sst s10  }
0x32: {  	s10 =	sld [smem:$0x3FB8];
	_ =	sdelay $0x3  }
0x33: {  	p0 =	seq.s32 s10, $0x1;
	s10 =	sld [smem:$0x3FBA];
	_ =	sdelay $0x3  }
0x34: {  	[smem:$0x3FBA] =	sst s10  }
0x35: {  	s10 =	sld [smem:$0x3FB9];
	_ =	sdelay $0x3  }
0x36: {  	p1 =	seq.s32 s10, $0x1;
	s10 =	sld [smem:$0x3FBA];
	_ =	sdelay $0x3  }
0x37: {  	[smem:$0x3FBA] =	sst s10  }
0x38: {  	s10 =	sld [smem:$0x3FBB]  }
0x39: {  	_ = 	snop;
	(pc) =	sbr.ind lr, $3  }
0x3a: {  	_ = 	snop  }
0x3b: {  	_ = 	snop  }
0x3c: {  	p2 =	seq.s32 s10, $0x1;
	s10 =	sld [smem:$0x3FBA]  }
0x3d: {  	_ =	shalt  }
0x3e: {  	_ =	shalt  }
0x3f: {  	_ =	shalt  }
0x40: {  	_ =	shalt  }
0x41: {  	_ =	shalt  }
0x42: {  	_ =	shalt  }
0x43: {  	_ =	shalt  }
0x44: {  	_ =	shalt  }
0x45: {  	_ =	shalt  }
0x46: {  	_ =	shalt  }
0x47: {  	_ =	shalt  }
0x48: {  	_ =	shalt  }
0x49: {  	_ =	shalt  }
0x4a: {  	_ =	shalt  }
0x4b: {  	_ =	shalt  }
0x4c: {  	_ =	shalt  }
0x4d: {  	_ =	shalt  }
0x4e: {  	_ =	shalt  }
0x4f: {  	_ =	shalt  }
0x50: {  	_ =	shalt  }
0x51: {  	_ =	shalt  }
0x52: {  	_ =	shalt  }
0x53: {  	_ =	shalt  }
0x54: {  	_ =	shalt  }
0x55: {  	_ =	shalt  }
0x56: {  	_ =	shalt  }
0x57: {  	_ =	shalt  }
0x58: {  	_ =	shalt  }
0x59: {  	_ =	shalt  }
0x5a: {  	_ =	shalt  }
0x5b: {  	_ =	shalt  }
0x5c: {  	_ =	shalt  }
0x5d: {  	_ =	shalt  }
0x5e: {  	_ =	shalt  }
0x5f: {  	_ =	shalt  }
0x60: {  	_ =	shalt  }
0x61: {  	_ =	shalt  }
0x62: {  	_ =	shalt  }
0x63: {  	_ =	shalt  }
0x64: {  	_ =	shalt  }
0x65: {  	_ =	shalt  }
0x66: {  	_ =	shalt  }
0x67: {  	_ =	shalt  }
0x68: {  	_ =	shalt  }
0x69: {  	_ =	shalt  }
0x6a: {  	_ =	shalt  }
0x6b: {  	_ =	shalt  }
0x6c: {  	_ =	shalt  }
0x6d: {  	_ =	shalt  }
0x6e: {  	_ =	shalt  }
0x6f: {  	_ =	shalt  }
0x70: {  	_ =	shalt  }
0x71: {  	_ =	shalt  }
0x72: {  	_ =	shalt  }
0x73: {  	_ =	shalt  }
0x74: {  	_ =	shalt  }
0x75: {  	_ =	shalt  }
0x76: {  	_ =	shalt  }
0x77: {  	_ =	shalt  }
0x78: {  	_ =	shalt  }
0x79: {  	_ =	shalt  }
0x7a: {  	_ =	shalt  }
0x7b: {  	_ =	shalt  }
0x7c: {  	_ =	shalt  }
0x7d: {  	_ =	shalt  }
0x7e: {  	_ =	shalt  }
0x7f: {  	_ =	shalt  }
0x80: {  	_ =	shalt  }
0x81: {  	_ =	shalt  }
0x82: {  	_ =	shalt  }
0x83: {  	_ =	shalt  }
0x84: {  	_ =	shalt  }
0x85: {  	_ =	shalt  }
0x86: {  	_ =	shalt  }
0x87: {  	_ =	shalt  }
.Lfunc_end0:
.L_simem_size_0:
called_computation.1_lowered:
.L_overlay_start_0:
0x88: {  	s2 =	sld [smem:$0x3FD9]  }
0x89: {  	s3 =	sld [smem:$0x3FFE];
	_ =	sdelay $0x1  }
0x8a: {  	s1 =	srdreg.scid  }
0x8b: {  	s0 =	sand.u32 $0x1, s1  }
0x8c: {  	s17 =	sshll.u32 s0, $0xA;
	s2 =	sadd.s32 s3, s2  }
0x8d: {  	s2 =	sadd.s32 s2, s17  }
0x8e: {  	[smem:$0x3FC6] =	sst s2  }
0x8f: {  	_ = 	snop  }
0x90: {  	s2 =	sld [smem:$0x3FD0];
	(tm) =	ssettm $0x1  }
0x91: {  	s18 =	sld [smem:$0x3FFB];
	_ =	sdelay $0x3  }
0x92: {  	_ =	strace s18  }
0x93: {  	s3 =	sld [smem:$0x3FFC];
	_ =	sdelay $0x3  }
0x94: {  	_ =	strace s3  }
0x95: {  	s3 =	sld [smem:$0x3FFD];
	_ =	sdelay $0x3  }
0x96: {  	_ =	strace s3  }
0x97: {  	_ =	strace $0x8FFFFFFF  }
0x98: {  	s19 =	sld [smem:$0x3FDB];
	_ =	sdelay $0x1  }
0x99: {  	s4 =	simm.s32 $_scs_section_size  }
0x9a: {  	s5 =	simm.s32 $_size__tile_overlayer_lowered;
	s6 =	simm.s32 $_tile_overlayer_lowered  }
0x9b: {  	s22 =	simm.s32 $0x1BFF;
	s21 =	sshll.u32 s6, $0x1;
	s3 =	sadd.s32 s4, s19  }
0x9c: {  	s7 =	simm.s32 $0x0;
	s20 =	sshll.u32 s5, $0x1;
	s5 =	sadd.s32 s21, s3  }
0x9d: {  	[timem:s7], [sflag:s22] =	dma.local [hbm:s5], s20  }
0x9e: {  	_ =	swait.ge [sflag:s22], s20  }
0x9f: {  	s4 =	ssub.s32 $0x0, s20;
	[sflag:s22] =	ssyncset.done $0x0  }
0xa0: {  	[sflag:s22] =	ssyncadd.s32 s4;
	_ =	sdelay $0x1  }
0xa1: {  	s23 =	simm.s32 $0x1B8B  }
0xa2: {  	_ =	swait.ge [sflag:s23], $0x1  }
0xa3: {  	[sflag:s23] =	ssyncset.done $0x0  }
0xa4: {  	s25 =	simm.s32 $0x1B8E;
	s24 =	sld [smem:$0x3FFE];
	[sflag:s23] =	ssyncadd.s32 $0xFFFFFFFF  }
0xa5: {  	s26 =	simm.s32 $execute0_lowered;
	[smem:$0x3FD2] =	sst s25  }
0xa6: {  	s5 =	sshll.u32 s26, $0x1;
	_ =	strace $0x80000046;
	[dreg:$0x1] =	wrdreg $0xFFFFFFFF  }
0xa7: {  	s28 =	simm.s32 $_size_execute0_lowered;
	s3 =	sadd.s32 s3, s5;
	[dreg:$0x0] =	wrdreg $0x0  }
0xa8: {  	s5 =	sshll.u32 s28, $0x1;
	[dreg:$0x2] =	wrdreg s3  }
0xa9: {  	[dreg:$0x3] =	wrdreg s5  }
0xaa: {  	[dreg:$0x4] =	wrdreg $0xC0  }
0xab: {  	_ =	task [dreg:s7], $0x5FFFF  }
0xac: {  	[dreg:$0x1] =	wrdreg $0xFFFFFFFF  }
0xad: {  	[dreg:$0x0] =	wrdreg $0x60  }
0xae: {  	[dreg:$0x2] =	wrdreg s24  }
0xaf: {  	[dreg:$0x3] =	wrdreg s2  }
0xb0: {  	[dreg:$0x4] =	wrdreg $0x9  }
0xb1: {  	_ =	task.clear_ibuf [dreg:s7], $0x5FFFF;
	_ =	strace $0x90000046  }
0xb2: {  	s29 =	simm.s32 $0x9;
	_ =	strace $0x80000048  }
0xb3: {  	_ =	swait.ge [sflag:s29], $0x1  }
0xb4: {  	[sflag:s29] =	ssyncadd.s32 $0xFFFFFFFF  }
0xb5: {  	_ =	strace $0x90000048  }
0xb6: {  	_ =	sfence  }
0xb7: {  	s30 =	sld [smem:$0x0];
	_ =	sdelay $0x2  }
0xb8: {  	s31 =	sshll.u32 s1, $0xD;
	s1 =	sshrl.u32 s1, $0x2  }
0xb9: {  	s3 =	sand.u32 $0x4000, s31;
	s1 =	sadd.s32 s1, s30  }
0xba: {  	s0 =	sor.u32 s3, s0;
	s1 =	sshll.u32 s1, $0x11  }
0xbb: {  	s0 =	sor.u32 s1, s0  }
0xbc: {  	s0 =	sadd.s32 $0x8F2B, s0  }
0xbd: {  	[sflag:s0] =	ssyncadd.remote.s32 $0x1  }
0xbe: {  	_ =	sfence.sel $0xFFFF  }
0xbf: {  	[dreg:$0x0] =	wrdreg $0xFFFFFFFF;
	(pc) =	sbr.abs _section_cstart, $3  }
0xc0: {  	[dreg:$0x1] =	wrdreg $0xFFFFFFFF  }
0xc1: {  	_ =	task.clear_ibuf [dreg:s7], $0x2FFFF;
	_ =	strace $0x9FFFFFFF  }
0xc2: {  	(tm) =	ssettm $0x7FFFFFFF  }
0xc3: {  	_ =	shalt  }
tec
execute0_lowered:
.L_overlay_start_1:
0x0: {  	(tag) =	ssettag $0x1  }
0x1: {  	s0 =	rddreg [dreg:$0x0]  }
0x2: {  	s1 =	rddreg [dreg:$0x1]  }
0x3: {  	s3 =	srdreg.scid;
	s9 =	stileid.u32;
	s2 =	simm.s32 $0x0  }
0x4: {  	s28 =	simm.s32 $0x4;
	s29 =	simm.s32 $0xC400;
	s30 =	simm.s32 $0x5  }
0x5: {  	s31 =	simm.s32 $0x6;
	s5 =	sand.u32 $0x1, s3;
	s26 =	smul.u32 $0x320000, s9  }
0x6: {  	s24 =	sshll.u32 s9, $0x1;
	[smem:$0x7FF] =	sst s2;
	s9 =	smul.u32 $0xC800, s9  }
0x7: {  	s3 =	sadd.s32 $0xA00, s0;
	s4 =	sadd.s32 $0xF42E00, s0;
	s12 =	smul.u32 $0x190000, s5  }
0x8: {  	s6 =	sor.u32 s5, s24;
	s25 =	ssub.s32 $0x2, s5;
	s5 =	smul.u32 $0x6400, s5  }
0x9: {  	_ =	strace $0x80000047;
	s7 =	smul.u32 $0x6400, s6;
	s8 =	sshrl.u32 s25, $0x1  }
0xa: {  	s6 =	smul.u32 $0x190000, s6;
	s0 =	ssub.s32 s25, s8;
	s16 =	sadd.s32 s12, s26  }
0xb: {  	s5 =	sadd.s32 s5, s9;
	s8 =	simm.s32 $0xB;
	s9 =	simm.s32 $0xC  }
0xc: {  	s7 =	sshrl.u32 s7, $0x3;
	s6 =	sshrl.u32 s6, $0x3;
	s0 =	smax.u32 s0, $0x1  }
0xd: {  	s17 =	sshrl.u32 s16, $0x3;
	s18 =	sshll.u32 s5, $0x3;
	s19 =	sadd.s32 $0x700, s5  }
0xe: {  	s21 =	sadd.s32 $0x600, s5;
	s23 =	sadd.s32 $0x500, s5;
	s26 =	sadd.s32 $0x400, s5  }
0xf: {  	s10 =	sadd.s32 s3, s7;
	s6 =	sadd.s32 s1, s6;
	[dreg:$0xf] =	wrdreg s0  }
0x10: {  	s0 =	sadd.s32 s17, s1;
	s1 =	sadd.s32 s18, s1;
	[dreg:$0x13] =	wrdreg s26  }
0x11: {  	s20 =	sshrl.u32 s19, $0x3;
	s24 =	sshrl.u32 s23, $0x3;
	[dreg:$0x7] =	wrdreg s10  }
0x12: {  	s18 =	simm.s32 $0x100;
	s11 =	sadd.s32 $0x20, s10;
	[dreg:$0x3] =	wrdreg s0  }
0x13: {  	s19 =	simm.s32 $0x200;
	s13 =	sadd.s32 $0x30000, s6;
	[dreg:$0x8] =	wrdreg s11  }
0x14: {  	s23 =	simm.s32 $0x2;
	s14 =	sadd.s32 $0x30800, s6;
	[dreg:$0xb] =	wrdreg s13  }
0x15: {  	s26 =	simm.s32 $0x8400;
	s15 =	sadd.s32 $0x31000, s6;
	[dreg:$0xc] =	wrdreg s14  }
0x16: {  	s7 =	simm.s32 $0xA;
	s6 =	sadd.s32 $0x31800, s6;
	[dreg:$0xd] =	wrdreg s15  }
0x17: {  	s0 =	sadd.s32 s20, s3;
	s22 =	sadd.s32 $0x1000, s1;
	[dreg:$0xe] =	wrdreg s6  }
0x18: {  	s25 =	sadd.s32 s24, s3;
	s20 =	simm.s32 $0x300;
	[dreg:$0x10] =	wrdreg s0  }
0x19: {  	s24 =	simm.s32 $0x4400;
	s11 =	sadd.s32 $0x40, s10;
	[dreg:$0x5] =	wrdreg s22  }
0x1a: {  	s10 =	sadd.s32 $0x60, s10;
	s6 =	sadd.s32 $0x1800, s1;
	[dreg:$0x12] =	wrdreg s25  }
0x1b: {  	s0 =	sshrl.u32 s21, $0x3;
	s1 =	sadd.s32 $0x800, s1;
	[dreg:$0x9] =	wrdreg s11  }
0x1c: {  	s21 =	simm.s32 $0x1;
	s22 =	simm.s32 $0x400;
	[dreg:$0xa] =	wrdreg s10  }
0x1d: {  	s25 =	simm.s32 $0x3;
	[dreg:$0x4] =	wrdreg s6;
	s0 =	sadd.s32 s0, s3  }
0x1e: {  	[dreg:$0x6] =	wrdreg s1;
	s1 =	simm.s32 $0x8;
	s6 =	simm.s32 $0x9  }
0x1f: {  	s10 =	simm.s32 $0x0;
	[dreg:$0x11] =	wrdreg s0;
	s0 =	simm.s32 $0x7  }
.LBB2_1:
0x20: {  	s5 =	rddreg [dreg:$0x7]  }
0x21: {  	[tilespmem:s2], [sflag:$0x1] =	stream.linear.gather [hbm4b:s5+s2], $0x100, $0x38;
	[tilespmem:$0x10400] =	vst v63  }
0x22: {  	s15 =	rddreg [dreg:$0x8]  }
0x23: {  	[tilespmem:s18], [sflag:$0x2] =	stream.linear.gather [hbm4b:s15+s2], $0x100, $0x38;
	[tilespmem:$0x10400] =	vst v63  }
0x24: {  	s16 =	rddreg [dreg:$0x9]  }
0x25: {  	[tilespmem:s19], [sflag:$0x3] =	stream.linear.gather [hbm4b:s16+s2], $0x100, $0x38;
	[tilespmem:$0x10400] =	vst v63  }
0x26: {  	s17 =	rddreg [dreg:$0xa]  }
0x27: {  	[tilespmem:s20], [sflag:$0x4] =	stream.linear.gather [hbm4b:s17+s2], $0x100, $0x38;
	[tilespmem:$0x10400] =	vst v63  }
0x28: {  	_ =	swait.ge [sflag:s21], $0x100  }
0x29: {  	[sflag:s21] =	ssyncset.done $0x0  }
0x2a: {  	[sflag:s21] =	ssyncadd.s32 $0xFFFFFF00  }
0x2b: {  	[tilespmem:s22], [sflag:$0x5] =	stream.indirect.gather [hbm4b:s4+s18], $0x40, s2, s18, $0xb8;
	[tilespmem:$0x10400] =	vst v63  }
0x2c: {  	_ =	swait.ge [sflag:s23], $0x100  }
0x2d: {  	[sflag:s23] =	ssyncset.done $0x0  }
0x2e: {  	[sflag:s23] =	ssyncadd.s32 $0xFFFFFF00  }
0x2f: {  	[tilespmem:s24], [sflag:$0x6] =	stream.indirect.gather [hbm4b:s4+s18], $0x40, s18, s18, $0xb8;
	[tilespmem:$0x10400] =	vst v63  }
0x30: {  	_ =	swait.ge [sflag:s25], $0x100  }
0x31: {  	[sflag:s25] =	ssyncset.done $0x0  }
0x32: {  	[sflag:s25] =	ssyncadd.s32 $0xFFFFFF00  }
0x33: {  	[tilespmem:s26], [sflag:$0x7] =	stream.indirect.gather [hbm4b:s4+s18], $0x40, s19, s18, $0xb8;
	[tilespmem:$0x10400] =	vst v63  }
0x34: {  	_ =	swait.ge [sflag:s28], $0x100  }
0x35: {  	[sflag:s28] =	ssyncset.done $0x0  }
0x36: {  	[sflag:s28] =	ssyncadd.s32 $0xFFFFFF00  }
0x37: {  	[tilespmem:s29], [sflag:$0x8] =	stream.indirect.gather [hbm4b:s4+s18], $0x40, s20, s18, $0xb8;
	[tilespmem:$0x10400] =	vst v63  }
0x38: {  	_ =	swait.ge [sflag:s30], $0x4000  }
0x39: {  	s11 =	rddreg [dreg:$0x3]  }
0x3a: {  	[sflag:s30] =	ssyncset.done $0x0;
	s13 =	rddreg [dreg:$0x13]  }
0x3b: {  	[sflag:s30] =	ssyncadd.s32 $0xFFFFC000;
	s5 =	sadd.s32 $0x0, s11;
	s11 =	sshrl.u32 s13, $0x3  }
0x3c: {  	[hbm4b:s5+s2] =	stream.linear.scatter [tilespmem:s22], [sflag:$0x9], $0x4000, $0x38;
	[tilespmem:$0x10400] =	vst v63  }
0x3d: {  	s12 =	sadd.s32 s3, s11  }
0x3e: {  	[tilespmem:s2], [sflag:$0x1] =	stream.linear.gather [hbm4b:s12+s2], $0x100, $0x38;
	[tilespmem:$0x10400] =	vst v63  }
0x3f: {  	_ =	swait.ge [sflag:s31], $0x4000  }
0x40: {  	s14 =	rddreg [dreg:$0x6];
	[sflag:s31] =	ssyncset.done $0x0  }
0x41: {  	[sflag:s31] =	ssyncadd.s32 $0xFFFFC000;
	s5 =	sadd.s32 $0x0, s14  }
0x42: {  	[hbm4b:s5+s2] =	stream.linear.scatter [tilespmem:s24], [sflag:$0xA], $0x4000, $0x38;
	[tilespmem:$0x10400] =	vst v63  }
0x43: {  	s12 =	rddreg [dreg:$0x12]  }
0x44: {  	[tilespmem:s18], [sflag:$0x2] =	stream.linear.gather [hbm4b:s12+s2], $0x100, $0x38;
	[tilespmem:$0x10400] =	vst v63  }
0x45: {  	_ =	swait.ge [sflag:s0], $0x4000  }
0x46: {  	s15 =	rddreg [dreg:$0x5];
	[sflag:s0] =	ssyncset.done $0x0  }
0x47: {  	[sflag:s0] =	ssyncadd.s32 $0xFFFFC000;
	s5 =	sadd.s32 $0x0, s15  }
0x48: {  	[hbm4b:s5+s2] =	stream.linear.scatter [tilespmem:s26], [sflag:$0xB], $0x4000, $0x38;
	[tilespmem:$0x10400] =	vst v63  }
0x49: {  	s14 =	rddreg [dreg:$0x11]  }
0x4a: {  	[tilespmem:s19], [sflag:$0x3] =	stream.linear.gather [hbm4b:s14+s2], $0x100, $0x38;
	[tilespmem:$0x10400] =	vst v63  }
0x4b: {  	_ =	swait.ge [sflag:s1], $0x4000  }
0x4c: {  	s16 =	rddreg [dreg:$0x4];
	[sflag:s1] =	ssyncset.done $0x0  }
0x4d: {  	[sflag:s1] =	ssyncadd.s32 $0xFFFFC000;
	s5 =	sadd.s32 $0x0, s16  }
0x4e: {  	[hbm4b:s5+s2] =	stream.linear.scatter [tilespmem:s29], [sflag:$0xC], $0x4000, $0x38;
	[tilespmem:$0x10400] =	vst v63  }
0x4f: {  	s17 =	rddreg [dreg:$0x10]  }
0x50: {  	[tilespmem:s20], [sflag:$0x4] =	stream.linear.gather [hbm4b:s17+s2], $0x100, $0x38;
	[tilespmem:$0x10400] =	vst v63  }
0x51: {  	_ =	swait.ge [sflag:s6], $0x4000  }
0x52: {  	[sflag:s6] =	ssyncset.done $0x0  }
0x53: {  	[sflag:s6] =	ssyncadd.s32 $0xFFFFC000  }
0x54: {  	_ =	swait.ge [sflag:s21], $0x100  }
0x55: {  	[sflag:s21] =	ssyncset.done $0x0  }
0x56: {  	[sflag:s21] =	ssyncadd.s32 $0xFFFFFF00  }
0x57: {  	[tilespmem:s22], [sflag:$0x5] =	stream.indirect.gather [hbm4b:s4+s18], $0x40, s2, s18, $0xb8;
	[tilespmem:$0x10400] =	vst v63  }
0x58: {  	_ =	swait.ge [sflag:s7], $0x4000  }
0x59: {  	[sflag:s7] =	ssyncset.done $0x0  }
0x5a: {  	[sflag:s7] =	ssyncadd.s32 $0xFFFFC000  }
0x5b: {  	_ =	swait.ge [sflag:s23], $0x100  }
0x5c: {  	[sflag:s23] =	ssyncset.done $0x0  }
0x5d: {  	[sflag:s23] =	ssyncadd.s32 $0xFFFFFF00  }
0x5e: {  	[tilespmem:s24], [sflag:$0x6] =	stream.indirect.gather [hbm4b:s4+s18], $0x40, s18, s18, $0xb8;
	[tilespmem:$0x10400] =	vst v63  }
0x5f: {  	_ =	swait.ge [sflag:s8], $0x4000  }
0x60: {  	[sflag:s8] =	ssyncset.done $0x0  }
0x61: {  	[sflag:s8] =	ssyncadd.s32 $0xFFFFC000  }
0x62: {  	_ =	swait.ge [sflag:s25], $0x100  }
0x63: {  	[sflag:s25] =	ssyncset.done $0x0  }
0x64: {  	[sflag:s25] =	ssyncadd.s32 $0xFFFFFF00  }
0x65: {  	[tilespmem:s26], [sflag:$0x7] =	stream.indirect.gather [hbm4b:s4+s18], $0x40, s19, s18, $0xb8;
	[tilespmem:$0x10400] =	vst v63  }
0x66: {  	_ =	swait.ge [sflag:s9], $0x4000  }
0x67: {  	[sflag:s9] =	ssyncset.done $0x0  }
0x68: {  	[sflag:s9] =	ssyncadd.s32 $0xFFFFC000  }
0x69: {  	s13 =	sadd.s32 $0x400, s13;
	_ =	swait.ge [sflag:s28], $0x100  }
0x6a: {  	s11 =	simm.s32 $0x2000;
	s12 =	sadd.s32 $0x80, s12;
	[sflag:s28] =	ssyncset.done $0x0  }
0x6b: {  	s14 =	sadd.s32 $0x80, s14;
	s5 =	sadd.s32 $0x80, s17;
	[sflag:s28] =	ssyncadd.s32 $0xFFFFFF00  }
.LBB2_2:
0x6c: {  	[tilespmem:s29], [sflag:$0x8] =	stream.indirect.gather [hbm4b:s4+s18], $0x40, s20, s18, $0xb8;
	[tilespmem:$0x10400] =	vst v63  }
0x6d: {  	_ =	swait.ge [sflag:s30], $0x4000  }
0x6e: {  	s15 =	smov.u32 s11;
	s16 =	rddreg [dreg:$0x3];
	[sflag:s30] =	ssyncset.done $0x0  }
0x6f: {  	s17 =	sshrl.u32 s13, $0x3;
	[sflag:s30] =	ssyncadd.s32 $0xFFFFC000;
	s16 =	sadd.s32 s15, s16  }
0x70: {  	[hbm4b:s16+s2] =	stream.linear.scatter [tilespmem:s22], [sflag:$0x9], $0x4000, $0x38;
	[tilespmem:$0x10400] =	vst v63  }
0x71: {  	s17 =	sadd.s32 s3, s17  }
0x72: {  	[tilespmem:s2], [sflag:$0x1] =	stream.linear.gather [hbm4b:s17+s2], $0x100, $0x38;
	[tilespmem:$0x10400] =	vst v63  }
0x73: {  	_ =	swait.ge [sflag:s31], $0x4000  }
0x74: {  	s17 =	rddreg [dreg:$0x6];
	[sflag:s31] =	ssyncset.done $0x0  }
0x75: {  	[sflag:s31] =	ssyncadd.s32 $0xFFFFC000;
	s16 =	sadd.s32 s15, s17  }
0x76: {  	[hbm4b:s16+s2] =	stream.linear.scatter [tilespmem:s24], [sflag:$0xA], $0x4000, $0x38;
	[tilespmem:$0x10400] =	vst v63  }
0x77: {  	_ = 	snop  }
0x78: {  	[tilespmem:s18], [sflag:$0x2] =	stream.linear.gather [hbm4b:s12+s2], $0x100, $0x38;
	[tilespmem:$0x10400] =	vst v63  }
0x79: {  	_ =	swait.ge [sflag:s0], $0x4000  }
0x7a: {  	s17 =	rddreg [dreg:$0x5];
	[sflag:s0] =	ssyncset.done $0x0  }
0x7b: {  	[sflag:s0] =	ssyncadd.s32 $0xFFFFC000;
	s16 =	sadd.s32 s15, s17  }
0x7c: {  	[hbm4b:s16+s2] =	stream.linear.scatter [tilespmem:s26], [sflag:$0xB], $0x4000, $0x38;
	[tilespmem:$0x10400] =	vst v63  }
0x7d: {  	_ = 	snop  }
0x7e: {  	[tilespmem:s19], [sflag:$0x3] =	stream.linear.gather [hbm4b:s14+s2], $0x100, $0x38;
	[tilespmem:$0x10400] =	vst v63  }
0x7f: {  	_ =	swait.ge [sflag:s1], $0x4000  }
0x80: {  	s17 =	rddreg [dreg:$0x4];
	[sflag:s1] =	ssyncset.done $0x0  }
0x81: {  	[sflag:s1] =	ssyncadd.s32 $0xFFFFC000;
	s15 =	sadd.s32 s15, s17  }
0x82: {  	[hbm4b:s15+s2] =	stream.linear.scatter [tilespmem:s29], [sflag:$0xC], $0x4000, $0x38;
	[tilespmem:$0x10400] =	vst v63  }
0x83: {  	_ = 	snop  }
0x84: {  	[tilespmem:s20], [sflag:$0x4] =	stream.linear.gather [hbm4b:s5+s2], $0x100, $0x38;
	[tilespmem:$0x10400] =	vst v63  }
0x85: {  	_ =	swait.ge [sflag:s6], $0x4000  }
0x86: {  	[sflag:s6] =	ssyncset.done $0x0  }
0x87: {  	[sflag:s6] =	ssyncadd.s32 $0xFFFFC000  }
0x88: {  	_ =	swait.ge [sflag:s21], $0x100  }
0x89: {  	[sflag:s21] =	ssyncset.done $0x0  }
0x8a: {  	[sflag:s21] =	ssyncadd.s32 $0xFFFFFF00  }
0x8b: {  	[tilespmem:s22], [sflag:$0x5] =	stream.indirect.gather [hbm4b:s4+s18], $0x40, s2, s18, $0xb8;
	[tilespmem:$0x10400] =	vst v63  }
0x8c: {  	_ =	swait.ge [sflag:s7], $0x4000  }
0x8d: {  	[sflag:s7] =	ssyncset.done $0x0  }
0x8e: {  	[sflag:s7] =	ssyncadd.s32 $0xFFFFC000  }
0x8f: {  	_ =	swait.ge [sflag:s23], $0x100  }
0x90: {  	[sflag:s23] =	ssyncset.done $0x0  }
0x91: {  	[sflag:s23] =	ssyncadd.s32 $0xFFFFFF00  }
0x92: {  	[tilespmem:s24], [sflag:$0x6] =	stream.indirect.gather [hbm4b:s4+s18], $0x40, s18, s18, $0xb8;
	[tilespmem:$0x10400] =	vst v63  }
0x93: {  	_ =	swait.ge [sflag:s8], $0x4000  }
0x94: {  	[sflag:s8] =	ssyncset.done $0x0  }
0x95: {  	[sflag:s8] =	ssyncadd.s32 $0xFFFFC000  }
0x96: {  	_ =	swait.ge [sflag:s25], $0x100  }
0x97: {  	[sflag:s25] =	ssyncset.done $0x0  }
0x98: {  	[sflag:s25] =	ssyncadd.s32 $0xFFFFFF00  }
0x99: {  	[tilespmem:s26], [sflag:$0x7] =	stream.indirect.gather [hbm4b:s4+s18], $0x40, s19, s18, $0xb8;
	[tilespmem:$0x10400] =	vst v63  }
0x9a: {  	p0 =	sne.s32 s11, $0x2E000;
	_ =	swait.ge [sflag:s9], $0x4000  }
.Ltmp0:
0x9b: {  	[sflag:s9] =	ssyncset.done $0x0;
	(pc) =	sbr.rel @p0 .LBB2_2-.Ltmp0, $4  }
0x9c: {  	[sflag:s9] =	ssyncadd.s32 $0xFFFFC000  }
0x9d: {  	s11 =	sadd.s32 $0x2000, s11;
	_ =	swait.ge [sflag:s28], $0x100  }
0x9e: {  	s13 =	sadd.s32 $0x400, s13;
	s12 =	sadd.s32 $0x80, s12;
	[sflag:s28] =	ssyncset.done $0x0  }
0x9f: {  	s14 =	sadd.s32 $0x80, s14;
	s5 =	sadd.s32 $0x80, s5;
	[sflag:s28] =	ssyncadd.s32 $0xFFFFFF00  }
0xa0: {  	[tilespmem:s29], [sflag:$0x8] =	stream.indirect.gather [hbm4b:s4+s18], $0x40, s20, s18, $0xb8;
	[tilespmem:$0x10400] =	vst v63  }
0xa1: {  	_ =	swait.ge [sflag:s30], $0x4000  }
0xa2: {  	[sflag:s30] =	ssyncset.done $0x0  }
0xa3: {  	s5 =	rddreg [dreg:$0xb];
	[sflag:s30] =	ssyncadd.s32 $0xFFFFC000  }
0xa4: {  	[hbm4b:s5+s2] =	stream.linear.scatter [tilespmem:s22], [sflag:$0x9], $0x4000, $0x38;
	[tilespmem:$0x10400] =	vst v63  }
0xa5: {  	_ =	swait.ge [sflag:s31], $0x4000  }
0xa6: {  	[sflag:s31] =	ssyncset.done $0x0  }
0xa7: {  	s14 =	rddreg [dreg:$0xc];
	[sflag:s31] =	ssyncadd.s32 $0xFFFFC000  }
0xa8: {  	[hbm4b:s14+s2] =	stream.linear.scatter [tilespmem:s24], [sflag:$0xA], $0x4000, $0x38;
	[tilespmem:$0x10400] =	vst v63  }
0xa9: {  	_ =	swait.ge [sflag:s0], $0x4000  }
0xaa: {  	[sflag:s0] =	ssyncset.done $0x0  }
0xab: {  	s15 =	rddreg [dreg:$0xd];
	[sflag:s0] =	ssyncadd.s32 $0xFFFFC000  }
0xac: {  	[hbm4b:s15+s2] =	stream.linear.scatter [tilespmem:s26], [sflag:$0xB], $0x4000, $0x38;
	[tilespmem:$0x10400] =	vst v63  }
0xad: {  	_ =	swait.ge [sflag:s1], $0x4000  }
0xae: {  	[sflag:s1] =	ssyncset.done $0x0  }
0xaf: {  	s16 =	rddreg [dreg:$0xe];
	[sflag:s1] =	ssyncadd.s32 $0xFFFFC000  }
0xb0: {  	[hbm4b:s16+s2] =	stream.linear.scatter [tilespmem:s29], [sflag:$0xC], $0x4000, $0x38;
	[tilespmem:$0x10400] =	vst v63  }
0xb1: {  	_ =	swait.ge [sflag:s6], $0x4000  }
0xb2: {  	[sflag:s6] =	ssyncset.done $0x0  }
0xb3: {  	[sflag:s6] =	ssyncadd.s32 $0xFFFFC000  }
0xb4: {  	_ =	swait.ge [sflag:s7], $0x4000  }
0xb5: {  	[sflag:s7] =	ssyncset.done $0x0  }
0xb6: {  	[sflag:s7] =	ssyncadd.s32 $0xFFFFC000  }
0xb7: {  	_ =	swait.ge [sflag:s8], $0x4000  }
0xb8: {  	[sflag:s8] =	ssyncset.done $0x0  }
0xb9: {  	[sflag:s8] =	ssyncadd.s32 $0xFFFFC000  }
0xba: {  	_ =	swait.ge [sflag:s9], $0x4000  }
0xbb: {  	s10 =	sadd.s32 $0x1, s10;
	s17 =	rddreg [dreg:$0xf]  }
0xbc: {  	p0 =	sne.s32 s10, s17  }
.Ltmp1:
0xbd: {  	_ = 	snop;
	(pc) =	sbr.rel @p0 .LBB2_1-.Ltmp1, $3  }
0xbe: {  	_ =	sdelay $0x1  }
0xbf: {  	[sflag:s9] =	ssyncset.done $0x0  }
0xc0: {  	[sflag:s9] =	ssyncadd.s32 $0xFFFFC000  }
0xc1: {  	_ =	sfence.sel $0x180000  }
0xc2: {  	[bflag:$0x0] =	sbarrier.arrive $0xFFFF  }
0xc3: {  	_ =	strace $0x90000047  }
0xc4: {  	s0 =	stileid.u32;
	[bflag:$0x2] =	sbarrier.arrive $0xFFFF  }
0xc5: {  	p0 =	sne.s32 s0, $0x0;
	s0 =	rddreg [dreg:$0x2]  }
0xc6: {  	s0 =	sadd.s32 @!p0 $0x100000, s0  }
0xc7: {  	[sflag:s0] =	ssyncadd.tile.s32 @!p0 $0x1;
	_ =	shalt  }
.Lfunc_end2:
_tile_overlayer_lowered:
.L_overlay_start_2:
0xc8: {  	(tag) =	ssettag $0x2  }
0xc9: {  	s0 =	rddreg [dreg:$0x0];
	s2 =	stileid.u32  }
0xca: {  	s1 =	rddreg [dreg:$0x1];
	p0 =	sne.s32 s2, $0x0  }
0xcb: {  	s3 =	rddreg [dreg:$0x2];
	[bflag:$0x3] =	sbarrier.arrive $0xFFFF;
	s2 =	simm.s32 @!p0 $0x1C0D  }
0xcc: {  	[timem:s3], [sflag:s2] =	dma.local @!p0 [hbm:s0], s1  }
0xcd: {  	s0 =	simm.s32 @!p0 $0xD  }
0xce: {  	_ =	swait.ge @!p0 [sflag:s0], s1  }
0xcf: {  	s1 =	ssub.s32 @!p0 $0x0, s1;
	[sflag:s0] =	ssyncset.done @!p0 $0x0  }
0xd0: {  	[sflag:s0] =	ssyncadd.s32 @!p0 s1  }
0xd1: {  	[bflag:$0x3] =	sbarrier.arrive $0xFFFF  }
0xd2: {  	_ =	shalt  }

// kernel: sparse-core-data-format-call.cloned.1.call-start
scs
called_computation_lowered:
.L_overlay_start_0:
0x0: {  	s2 =	sld [smem:$0x3FD9]  }
0x1: {  	s3 =	sld [smem:$0x3FFE];
	_ =	sdelay $0x1  }
0x2: {  	s1 =	srdreg.scid  }
0x3: {  	s0 =	sand.u32 $0x1, s1  }
0x4: {  	s18 =	sshll.u32 s0, $0xA;
	s2 =	sadd.s32 s3, s2  }
0x5: {  	s2 =	sadd.s32 s2, s18  }
0x6: {  	[smem:$0x3FC6] =	sst s2  }
0x7: {  	_ = 	snop  }
0x8: {  	s2 =	sld [smem:$0x3FD0];
	(tm) =	ssettm $0x1  }
0x9: {  	s19 =	sld [smem:$0x3FFB];
	_ =	sdelay $0x3  }
0xa: {  	_ =	strace s19  }
0xb: {  	s3 =	sld [smem:$0x3FFC];
	_ =	sdelay $0x3  }
0xc: {  	_ =	strace s3  }
0xd: {  	s3 =	sld [smem:$0x3FFD];
	_ =	sdelay $0x3  }
0xe: {  	_ =	strace s3  }
0xf: {  	_ =	strace $0x8FFFFFFF  }
0x10: {  	s20 =	sld [smem:$0x3FDB];
	_ =	sdelay $0x1  }
0x11: {  	s4 =	simm.s32 $_scs_section_size  }
0x12: {  	s5 =	simm.s32 $_size__tile_overlayer_lowered;
	s6 =	simm.s32 $_tile_overlayer_lowered  }
0x13: {  	s23 =	simm.s32 $0x1BFF;
	s22 =	sshll.u32 s6, $0x1;
	s3 =	sadd.s32 s4, s20  }
0x14: {  	s7 =	simm.s32 $0x0;
	s21 =	sshll.u32 s5, $0x1;
	s5 =	sadd.s32 s22, s3  }
0x15: {  	[timem:s7], [sflag:s23] =	dma.local [hbm:s5], s21  }
0x16: {  	_ =	swait.ge [sflag:s23], s21  }
0x17: {  	s4 =	ssub.s32 $0x0, s21;
	[sflag:s23] =	ssyncset.done $0x0  }
0x18: {  	[sflag:s23] =	ssyncadd.s32 s4;
	_ =	sdelay $0x1  }
0x19: {  	s24 =	simm.s32 $0x1B8B  }
0x1a: {  	_ =	swait.ge [sflag:s24], $0x1  }
0x1b: {  	[sflag:s24] =	ssyncset.done $0x0  }
0x1c: {  	s26 =	simm.s32 $0x1B8E;
	s25 =	sld [smem:$0x3FFE];
	[sflag:s24] =	ssyncadd.s32 $0xFFFFFFFF  }
0x1d: {  	s27 =	simm.s32 $execute0_lowered;
	[smem:$0x3FD2] =	sst s26  }
0x1e: {  	s5 =	sshll.u32 s27, $0x1;
	_ =	strace $0x80000049;
	[dreg:$0x1] =	wrdreg $0xFFFFFFFF  }
0x1f: {  	s28 =	simm.s32 $_size_execute0_lowered;
	s3 =	sadd.s32 s3, s5;
	[dreg:$0x0] =	wrdreg $0x0  }
0x20: {  	s5 =	sshll.u32 s28, $0x1;
	[dreg:$0x2] =	wrdreg s3  }
0x21: {  	[dreg:$0x3] =	wrdreg s5  }
0x22: {  	[dreg:$0x4] =	wrdreg $0xC0  }
0x23: {  	_ =	task [dreg:s7], $0x5FFFF  }
0x24: {  	[dreg:$0x1] =	wrdreg $0xFFFFFFFF  }
0x25: {  	[dreg:$0x0] =	wrdreg $0x60  }
0x26: {  	[dreg:$0x2] =	wrdreg s25  }
0x27: {  	[dreg:$0x3] =	wrdreg s2  }
0x28: {  	[dreg:$0x4] =	wrdreg $0x9  }
0x29: {  	_ =	task.clear_ibuf [dreg:s7], $0x5FFFF;
	_ =	strace $0x90000049  }
0x2a: {  	s29 =	simm.s32 $0x9;
	_ =	strace $0x8000004B  }
0x2b: {  	_ =	swait.ge [sflag:s29], $0x1  }
0x2c: {  	[sflag:s29] =	ssyncadd.s32 $0xFFFFFFFF  }
0x2d: {  	_ =	strace $0x9000004B  }
0x2e: {  	_ =	sfence  }
0x2f: {  	s30 =	sld [smem:$0x0];
	_ =	sdelay $0x2  }
0x30: {  	s31 =	sshll.u32 s1, $0xD;
	s1 =	sshrl.u32 s1, $0x2  }
0x31: {  	s3 =	sand.u32 $0x4000, s31;
	s1 =	sadd.s32 s1, s30  }
0x32: {  	s0 =	sor.u32 s3, s0;
	s1 =	sshll.u32 s1, $0x11  }
0x33: {  	s0 =	sor.u32 s1, s0  }
0x34: {  	s0 =	sadd.s32 $0x8F2B, s0  }
0x35: {  	[sflag:s0] =	ssyncadd.remote.s32 $0x1  }
0x36: {  	_ =	sfence.sel $0xFFFF  }
0x37: {  	[dreg:$0x0] =	wrdreg $0xFFFFFFFF;
	(pc) =	sbr.abs _section_cstart, $3  }
0x38: {  	[dreg:$0x1] =	wrdreg $0xFFFFFFFF  }
0x39: {  	_ =	task.clear_ibuf [dreg:s7], $0x2FFFF;
	_ =	strace $0x9FFFFFFF  }
0x3a: {  	(tm) =	ssettm $0x7FFFFFFF  }
0x3b: {  	_ =	shalt  }
tec
execute0_lowered:
.L_overlay_start_1:
0x0: {  	(tag) =	ssettag $0x1  }
0x1: {  	s0 =	srdreg.scid  }
0x2: {  	s1 =	sshll.u32 s0, $0x4  }
0x3: {  	s0 =	stileid.u32;
	s1 =	sand.u32 $0x10, s1  }
0x4: {  	s1 =	sor.u32 s0, s1  }
0x5: {  	s6 =	rddreg [dreg:$0x0];
	s4 =	simm.s32 $0x1;
	s2 =	sshll.u32 s1, $0x7  }
0x6: {  	s7 =	simm.s32 $0x2;
	s12 =	simm.s32 $0x0;
	s1 =	ssub.s32 $0x4000, s2  }
0x7: {  	s8 =	simm.s32 $0x20000;
	s13 =	simm.s32 $0x0;
	s3 =	sand.u32 $0xF80, s1  }
0x8: {  	s9 =	simm.s32 $0x0;
	s5 =	sshrl.u32 s1, $0xC;
	p0 =	sne.s32 s3, $0x0  }
.Ltmp0:
0x9: {  	s1 =	rddreg [dreg:$0x2];
	s4 =	simm.s32 @!p0 $0x0;
	(pc) =	sbr.rel .LBB1_1-.Ltmp0, $4  }
0xa: {  	s11 =	simm.s32 $0x0;
	s3 =	rddreg [dreg:$0x1];
	s5 =	sadd.s32 s4, s5  }
0xb: {  	_ =	strace $0x8000004A;
	s4 =	simm.s32 $0x1;
	s5 =	smul.u32 $0x32, s5  }
0xc: {  	s6 =	sadd.s32 $0xA00, s6;
	s10 =	smov.u32 s2;
	[sflag:s4] =	ssyncpa.u1 $0x0  }
0xd: {  	p0 =	por $0x0, $0x0;
	[sflag:s7] =	ssyncpa.u1 $0x0;
	s7 =	sor.u32 $0x1, s5  }
.LBB1_4:
0xe: {  	s16 =	sshll.u32 s13, $0x3;
	s17 =	sand.u32 $0x78, s13  }
0xf: {  	s30 =	sand.u32 $0x1F800, s13;
	s12 =	sshll.u32 s12, $0x11;
	s16 =	sand.u32 $0x3C00, s16  }
0x10: {  	[tilespmem:s15+$0x810 ss:$0x81] =	vst.msk $0xffff, v2;
	s31 =	sand.u32 $0x7, s13;
	s16 =	sor.u32 s17, s16;
	s17 =	sadd.s32 s3, s30  }
0x11: {  	[tilespmem:s15+$0x1020 ss:$0x81] =	vst.msk $0xffff, v0;
	s13 =	sshll.u32 s31, $0x12;
	s12 =	sadd.s32 s12, s17;
	s16 =	sshrl.u32 s16, $0x3  }
0x12: {  	[tilespmem:s15+$0x0 ss:$0x81] =	vst.msk $0xffff, v1;
	s13 =	sor.u32 $0x400, s13;
	s12 =	sadd.s32 s16, s12  }
0x13: {  	[hbm4b:s12+s13] =	stream.strided.scatter [tilespmem:s14], [sflag:$0x2], $0x2000, s8, s13, $0x20;
	[tilespmem:$0x8080] =	vst v63  }
.LBB1_5:
0x14: {  	s14 =	sadd.s32 $0x1, s9  }
0x15: {  	s12 =	sadd.s32 $0x1000, s10;
	s16 =	smov.u32 s10;
	p2 =	sgt.s32 s14, $0x31  }
0x16: {  	s16 =	smov.u32 @p2 s12  }
0x17: {  	s14 =	simm.s32 @p2 $0x0;
	p2 =	sgt.s32 s16, $0x3FFF  }
0x18: {  	s16 =	smov.u32 @p2 s2;
	p2 =	sne.s32 s11, s7  }
.Ltmp1:
0x19: {  	p1 =	slt.u32 s11, $0x2;
	(pc) =	sbr.rel @!p2 .LBB1_6-.Ltmp1, $4  }
0x1a: {  	s15 =	simm.s32 @!p1 $0x2  }
0x1b: {  	s13 =	smov.u32 s10;
	p0 =	por !p0, !p0;
	_ =	swait.ge @!p1 [sflag:s15], $0x2000  }
0x1c: {  	s12 =	smov.u32 s9;
	[sflag:s15] =	ssyncset.done @!p1 $0x0;
	s9 =	smov.u32 s14  }
0x1d: {  	s11 =	sadd.s32 $0x1, s11;
	[sflag:s15] =	ssyncadd.s32 @!p1 $0xFFFFE000;
	s10 =	smov.u32 s16  }
.LBB1_1:
0x1e: {  	p1 =	sge.u32 s11, s5  }
0x1f: {  	s14 =	sand.u32 @!p1 $0x1FFFFFF, s9  }
0x20: {  	s15 =	smulhi.u32 @!p1 $0x4924925, s14;
	_ =	sdelay $0x1  }
0x21: {  	s15 =	smul.u32 @!p1 $0x38, s15  }
0x22: {  	s16 =	sxor.u32 @!p1 $0xFFFFFFFF, s11;
	s17 =	smul.u32 @!p1 $0x380, s10  }
0x23: {  	s31 =	sadd.s32 $0xFFFFFFFF, s11;
	s16 =	sshll.u32 @!p1 s16, $0xD;
	s14 =	ssub.s32 @!p1 s14, s15  }
0x24: {  	s15 =	sand.u32 @!p1 $0x2000, s16;
	s16 =	sadd.s32 @!p1 s6, s17;
	s14 =	sshll.u32 @!p1 s14, $0x4  }
0x25: {  	s17 =	simm.s32 @!p1 $0x1C00;
	s14 =	sadd.s32 @!p1 s14, s16;
	s16 =	simm.s32 @!p1 $0x40  }
0x26: {  	[tilespmem:s15], [sflag:$0x1] =	stream.strided.gather @!p1 [hbm4b:s14+s16], $0x2000, s17, s16, $0x38;
	[tilespmem:$0x8080] =	vst v63  }
0x27: {  	p1 =	sge.u32 s31, s5  }
.Ltmp2:
0x28: {  	_ = 	snop;
	(pc) =	sbr.rel @p1 .LBB1_5-.Ltmp2, $1  }
0x29: {  	_ =	sdelay $0x3  }
0x2a: {  	s14 =	simm.s32 $0x1  }
0x2b: {  	_ =	swait.ge [sflag:s4], $0x2000;
	s14 =	simm.s32 @!p0 $0x0  }
0x2c: {  	[sflag:s4] =	ssyncset.done $0x0;
	s15 =	sshll.u32 s14, $0xD  }
0x2d: {  	[sflag:s4] =	ssyncadd.s32 $0xFFFFE000;
	s18 =	sor.u32 $0x20, s15  }
0x2e: {  	s14 =	smul.u32 $0x8100, s14;
	v3 =	vld [tilespmem:s18+$0x10]  }
0x2f: {  	s30 =	sand.u32 $0x1, s11;
	v2 =	vld [tilespmem:s18+$0xFFFFFFF0]  }
0x30: {  	s15 =	smul.u32 $0x8100, s30;
	s14 =	sshrl.u32 s14, $0x2;
	v0 =	vld [tilespmem:s18+$0x0]  }
0x31: {  	v1 =	vld [tilespmem:s18+$0xFFFFFFE0];
	s16 =	sor.u32 $0x4000, s14  }
0x32: {  	s31 =	sshrl.u32 s15, $0x2;
	s15 =	sadd.s32 $0x0, s16  }
0x33: {  	s17 =	simm.s32 $0x4;
	s18 =	sadd.s32 $0x40, s18;
	s14 =	sor.u32 $0x4000, s31;
	[tilespmem:s15+$0x1830 ss:$0x81] =	vst.msk $0xffff, v3  }
.LBB1_3:
0x34: {  	v3 =	vld [tilespmem:s18+$0x10];
	p1 =	sne.s32 s17, $0x1FC;
	[tilespmem:s15+$0x810 ss:$0x81] =	vst.msk $0xffff, v2;
	s19 =	smov.u32 s17;
	s17 =	sadd.s32 $0x4, s17  }
.Ltmp3:
0x35: {  	v2 =	vld [tilespmem:s18+$0xFFFFFFF0];
	[tilespmem:s15+$0x1020 ss:$0x81] =	vst.msk $0xffff, v0;
	(pc) =	sbr.rel @p1 .LBB1_3-.Ltmp3, $4  }
0x36: {  	v0 =	vld [tilespmem:s18+$0x0];
	[tilespmem:s15+$0x0 ss:$0x81] =	vst.msk $0xffff, v1  }
0x37: {  	s15 =	sshra.s32 s19, $0x2;
	v1 =	vld [tilespmem:s18+$0xFFFFFFE0]  }
0x38: {  	s15 =	sadd.s32 s15, s16  }
0x39: {  	s18 =	sadd.s32 $0x40, s18;
	[tilespmem:s15+$0x1830 ss:$0x81] =	vst.msk $0xffff, v3  }
.Ltmp4:
0x3a: {  	_ = 	snop;
	(pc) =	sbr.rel .LBB1_4-.Ltmp4, $1  }
0x3b: {  	_ =	sdelay $0x3  }
.LBB1_6:
0x3c: {  	_ =	sfence.sel $0x180000  }
0x3d: {  	s2 =	simm.s32 $0x1;
	[bflag:$0x0] =	sbarrier.arrive $0xFFFF  }
0x3e: {  	s31 =	simm.s32 $0x2;
	[sflag:s2] =	ssyncpa.u1 $0x1  }
0x3f: {  	[sflag:s31] =	ssyncpa.u1 $0x1  }
0x40: {  	p0 =	sne.s32 s0, $0x0;
	_ =	strace $0x9000004A  }
0x41: {  	s0 =	sadd.s32 @!p0 $0x100000, s1;
	[bflag:$0x2] =	sbarrier.arrive $0xFFFF  }
0x42: {  	[sflag:s0] =	ssyncadd.tile.s32 @!p0 $0x1;
	_ =	shalt  }
.Lfunc_end1:
_tile_overlayer_lowered:
.L_overlay_start_2:
0x43: {  	(tag) =	ssettag $0x2  }
0x44: {  	s0 =	rddreg [dreg:$0x0];
	s2 =	stileid.u32  }
0x45: {  	s1 =	rddreg [dreg:$0x1];
	p0 =	sne.s32 s2, $0x0  }
0x46: {  	s3 =	rddreg [dreg:$0x2];
	[bflag:$0x3] =	sbarrier.arrive $0xFFFF;
	s2 =	simm.s32 @!p0 $0x1C01  }
0x47: {  	[timem:s3], [sflag:s2] =	dma.local @!p0 [hbm:s0], s1  }
0x48: {  	s0 =	simm.s32 @!p0 $0x1  }
0x49: {  	_ =	swait.ge @!p0 [sflag:s0], s1  }
0x4a: {  	s1 =	ssub.s32 @!p0 $0x0, s1;
	[sflag:s0] =	ssyncset.done @!p0 $0x0  }
0x4b: {  	[sflag:s0] =	ssyncadd.s32 @!p0 s1  }
0x4c: {  	[bflag:$0x3] =	sbarrier.arrive $0xFFFF  }
0x4d: {  	_ =	shalt  }

</sc_bundles>
